<compile_context>
chip_gen: v7x
topology: tpu7x:2x2x1
jax: 0.10.2.dev20260603
libtpu: 0.0.44.dev20260713+nightly
codegen_flags: <defaults>
</compile_context>

<pallas_src>
import functools

import jax
import jax.numpy as jnp
from jax import lax
from jax.experimental import pallas as pl
from jax.experimental.pallas import tpu as pltpu
from jax.experimental.pallas import tpu_sc as plsc

_NS = 16
_WIN = 80
_N_PAD = 10240
_STRIPE = _N_PAD // _NS


def _sc_scatter_body(edges_hbm, sidx_hbm, ridx_hbm, zrows_hbm, out_hbm,
                     edges_v, si_w, ri_w, stage_v, acc_s, acc_r):
    s = lax.axis_index("s")
    eh = edges_v.shape[0]
    ew = 2 * eh
    kh = eh // _WIN
    pltpu.sync_copy(zrows_hbm, acc_s.at[pl.ds(s * _STRIPE, _STRIPE)])
    pltpu.sync_copy(zrows_hbm, acc_r.at[pl.ds(s * _STRIPE, _STRIPE)])
    plsc.subcore_barrier()

    for g in range(2):
        pltpu.sync_copy(edges_hbm.at[pl.ds(s * ew + g * eh, eh)], edges_v)

        def win(j, carry):
            base = s * ew + g * eh + j * _WIN
            pltpu.sync_copy(sidx_hbm.at[pl.ds(base, _WIN)], si_w)
            pltpu.sync_copy(ridx_hbm.at[pl.ds(base, _WIN)], ri_w)
            rows = edges_v.at[pl.ds(j * _WIN, _WIN)]
            pltpu.sync_copy(rows, acc_s.at[si_w], add=True)
            pltpu.sync_copy(rows, acc_r.at[ri_w], add=True)
            return carry

        lax.fori_loop(0, kh, win, 0)
    plsc.subcore_barrier()
    pltpu.sync_copy(acc_s.at[pl.ds(s * _STRIPE, _STRIPE)], stage_v)
    pltpu.sync_copy(stage_v, out_hbm.at[0, pl.ds(s * _STRIPE, _STRIPE)])
    pltpu.sync_copy(acc_r.at[pl.ds(s * _STRIPE, _STRIPE)], stage_v)
    pltpu.sync_copy(stage_v, out_hbm.at[1, pl.ds(s * _STRIPE, _STRIPE)])


def _sc_scatter(edges8, sidx, ridx):
    e = edges8.shape[0]
    ew = e // _NS
    zrows = jnp.zeros((_STRIPE, 8), jnp.float32)
    mesh = plsc.VectorSubcoreMesh(core_axis_name="c", subcore_axis_name="s")
    fn = functools.partial(
        pl.kernel,
        mesh=mesh,
        out_type=jax.ShapeDtypeStruct((2, _N_PAD, 8), jnp.float32),
        compiler_params=pltpu.CompilerParams(use_tc_tiling_on_sc=False),
        scratch_types=[
            pltpu.VMEM((ew // 2, 8), jnp.float32),
            pltpu.VMEM((_WIN,), jnp.int32),
            pltpu.VMEM((_WIN,), jnp.int32),
            pltpu.VMEM((_STRIPE, 8), jnp.float32),
            pltpu.VMEM_SHARED((_N_PAD, 8), jnp.float32),
            pltpu.VMEM_SHARED((_N_PAD, 8), jnp.float32),
        ],
    )(_sc_scatter_body)
    return fn(edges8, sidx, ridx, zrows)


def _node_body(nodes_ref, parts_ref, wn_ref, bn_ref, we_ref, be_ref, w1_ref,
               b1_ref, w2_ref, b2_ref, wd_ref, bd_ref, g_ref, out_ref):
    n = nodes_ref.shape[0]
    f32 = jnp.float32
    seg_s = parts_ref[0, :n, 0:4]
    cnt_s = parts_ref[0, :n, 4:5]
    seg_r = parts_ref[1, :n, 0:4]
    cnt_r = parts_ref[1, :n, 4:5]
    w1 = w1_ref[...]
    a = jnp.dot(wn_ref[...], w1[0:10, :], preferred_element_type=f32)
    b = jnp.dot(we_ref[...], w1[10:20, :], preferred_element_type=f32)
    cmat = jnp.dot(we_ref[...], w1[20:30, :], preferred_element_type=f32)
    be_b = jnp.dot(be_ref[...], w1[10:20, :], preferred_element_type=f32)
    be_c = jnp.dot(be_ref[...], w1[20:30, :], preferred_element_type=f32)
    c0 = (jnp.dot(bn_ref[...], w1[0:10, :], preferred_element_type=f32)
          + jnp.dot(g_ref[...], w1[30:34, :], preferred_element_type=f32)
          + b1_ref[...])
    pre = (jnp.dot(nodes_ref[...], a, preferred_element_type=f32)
           + jnp.dot(seg_s, b, preferred_element_type=f32)
           + cnt_s * be_b
           + jnp.dot(seg_r, cmat, preferred_element_type=f32)
           + cnt_r * be_c
           + c0)
    h = jnp.maximum(pre, 0.0)
    w_out = jnp.dot(w2_ref[...], wd_ref[...], preferred_element_type=f32)
    c1 = jnp.dot(b2_ref[...], wd_ref[...], preferred_element_type=f32) + bd_ref[...]
    out_ref[...] = jnp.dot(h, w_out, preferred_element_type=f32) + c1


def _edge_body(e_ref, we_ref, be_ref, wd_ref, bd_ref, o_ref):
    f32 = jnp.float32
    w = jnp.dot(we_ref[...], wd_ref[...], preferred_element_type=f32)
    c2 = jnp.dot(be_ref[...], wd_ref[...], preferred_element_type=f32) + bd_ref[...]
    o_ref[...] = jnp.dot(e_ref[...], w, preferred_element_type=f32) + c2


def kernel(nodes, edges, senders, receivers, globals_,
           enc_node_W, enc_node_b, enc_edge_W, enc_edge_b,
           mlp_W1, mlp_b1, mlp_W2, mlp_b2,
           dec_node_W, dec_node_b, dec_edge_W, dec_edge_b):
    n = nodes.shape[0]
    e = edges.shape[0]
    f32 = jnp.float32
    sidx = senders.astype(jnp.int32)
    ridx = receivers.astype(jnp.int32)
    pad = jnp.concatenate((jnp.ones((e, 1), f32), jnp.zeros((e, 3), f32)),
                          axis=1)
    edges8 = jnp.concatenate((edges, pad), axis=1)

    parts = _sc_scatter(edges8, sidx, ridx)

    nodes_out = pl.pallas_call(
        _node_body,
        out_shape=jax.ShapeDtypeStruct((n, 1), f32),
    )(nodes, parts, enc_node_W, enc_node_b.reshape(1, -1), enc_edge_W,
      enc_edge_b.reshape(1, -1), mlp_W1, mlp_b1.reshape(1, -1), mlp_W2,
      mlp_b2.reshape(1, -1), dec_node_W, dec_node_b.reshape(1, -1), globals_)

    blk = 4000
    grid = e // blk
    edges_out = pl.pallas_call(
        _edge_body,
        grid=(grid,),
        in_specs=[
            pl.BlockSpec((blk, 4), lambda i: (i, 0)),
            pl.BlockSpec((4, 10), lambda i: (0, 0)),
            pl.BlockSpec((1, 10), lambda i: (0, 0)),
            pl.BlockSpec((10, 1), lambda i: (0, 0)),
            pl.BlockSpec((1, 1), lambda i: (0, 0)),
        ],
        out_specs=pl.BlockSpec((blk, 1), lambda i: (i, 0)),
        out_shape=jax.ShapeDtypeStruct((e, 1), f32),
    )(edges, enc_edge_W, enc_edge_b.reshape(1, -1), dec_edge_W,
      dec_edge_b.reshape(1, -1))

    return nodes_out, edges_out, globals_

# --- scband reference (transcript-rebuilt; emitter-appended) ---
"""Pipeline reference for scband-graph-net-25288767439626 (READ-ONLY COPY).

The authoritative reference and input builder live on the scoring server;
editing this copy changes nothing except your own understanding.
"""

import jax, jax.numpy as jnp
import numpy as np

N = 10000
E = 320000
D_NODE = 128
D_EDGE = 4
G = 4
LATENT = 10


def _glorot(key, shape):
    fan_in, fan_out = shape[0], shape[1]
    lim = jnp.sqrt(6.0 / (fan_in + fan_out))
    return jax.random.uniform(key, shape, jnp.float32, -lim, lim)


def setup_inputs(seed: int = 0) -> dict:
    key = jax.random.key(seed)
    ks = jax.random.split(key, 16)
    nodes = jax.random.normal(ks[0], (N, D_NODE), jnp.float32)
    edges = jax.random.normal(ks[1], (E, D_EDGE), jnp.float32)
    senders = jax.random.randint(ks[2], (E,), 0, N).astype(jnp.int64)
    receivers = jax.random.randint(ks[3], (E,), 0, N).astype(jnp.int64)
    globals_ = jax.random.normal(ks[4], (1, G), jnp.float32)
    # encoder dense layers
    enc_node_W = _glorot(ks[5], (D_NODE, LATENT)); enc_node_b = jnp.zeros((LATENT,), jnp.float32)
    enc_edge_W = _glorot(ks[6], (D_EDGE, LATENT)); enc_edge_b = jnp.zeros((LATENT,), jnp.float32)
    # node-update MLP: input = latent(nodes) + latent(sent) + latent(recv) + G(globals) = 34
    in_dim = 3 * LATENT + G
    mlp_W1 = _glorot(ks[7], (in_dim, LATENT)); mlp_b1 = jnp.zeros((LATENT,), jnp.float32)
    mlp_W2 = _glorot(ks[8], (LATENT, LATENT)); mlp_b2 = jnp.zeros((LATENT,), jnp.float32)
    # decoder dense layers (node_output_size=1, edge_output_size=1)
    dec_node_W = _glorot(ks[9], (LATENT, 1)); dec_node_b = jnp.zeros((1,), jnp.float32)
    dec_edge_W = _glorot(ks[10], (LATENT, 1)); dec_edge_b = jnp.zeros((1,), jnp.float32)
    return {
        'nodes': nodes, 'edges': edges, 'senders': senders, 'receivers': receivers,
        'globals_': globals_,
        'enc_node_W': enc_node_W, 'enc_node_b': enc_node_b,
        'enc_edge_W': enc_edge_W, 'enc_edge_b': enc_edge_b,
        'mlp_W1': mlp_W1, 'mlp_b1': mlp_b1, 'mlp_W2': mlp_W2, 'mlp_b2': mlp_b2,
        'dec_node_W': dec_node_W, 'dec_node_b': dec_node_b,
        'dec_edge_W': dec_edge_W, 'dec_edge_b': dec_edge_b,
    }


def reference(nodes, edges, senders, receivers, globals_,
              enc_node_W, enc_node_b, enc_edge_W, enc_edge_b,
              mlp_W1, mlp_b1, mlp_W2, mlp_b2,
              dec_node_W, dec_node_b, dec_edge_W, dec_edge_b):
    # --- encoder (GraphMapFeatures with Dense embeds) ---
    h_n = nodes @ enc_node_W + enc_node_b
    h_e = edges @ enc_edge_W + enc_edge_b
    g = globals_
    # --- GraphNetwork, num_message_passing_steps=1, update_edge_fn=None ---
    for _ in range(1):
        # aggregate edge features to nodes (jraph default: segment_sum)
        sent_attrs = jax.ops.segment_sum(h_e, senders, num_segments=N)
        recv_attrs = jax.ops.segment_sum(h_e, receivers, num_segments=N)
        # broadcast globals to each node (single graph)
        g_nodes = jnp.repeat(g, N, axis=0)
        # update_node_fn: MLP([latent, latent], relu) on concat
        inp = jnp.concatenate((h_n, sent_attrs, recv_attrs, g_nodes), axis=1)
        h = jax.nn.relu(inp @ mlp_W1 + mlp_b1)
        h_n = h @ mlp_W2 + mlp_b2
        # update_global_fn: splits time / static params and re-concats (identity-like)
        time = g[0]
        static_params = g[1:]
        g = jnp.concatenate((jnp.expand_dims(time, 0), static_params), axis=0)
    # --- decoder ---
    nodes_out = h_n @ dec_node_W + dec_node_b
    edges_out = h_e @ dec_edge_W + dec_edge_b
    return nodes_out, edges_out, g

if __name__ == "__main__":
    import jax
    _d = setup_inputs()
    print(jax.jit(kernel)(*tuple(_d.values())))

</pallas_src>

<mosaic_0001>
#map = affine_map<(d0, d1) -> (0, 0)>
#map1 = affine_map<(d0, d1) -> (0)>
#map2 = affine_map<(d0, d1) -> (0, 0, 0)>
module attributes {stable_mosaic.version = 14 : i64} {
  func.func @_sc_scatter_body(%arg0: i32, %arg1: i32, %arg2: memref<320000x8xf32, #tpu.memory_space<hbm>>, %arg3: memref<320000xi32, #tpu.memory_space<hbm>>, %arg4: memref<320000xi32, #tpu.memory_space<hbm>>, %arg5: memref<640x8xf32, #tpu.memory_space<hbm>>, %arg6: memref<2x10240x8xf32, #tpu.memory_space<hbm>>, %arg7: memref<10000x8xf32, #tpu.memory_space<vmem>>, %arg8: memref<80xi32, #tpu.memory_space<vmem>>, %arg9: memref<80xi32, #tpu.memory_space<vmem>>, %arg10: memref<640x8xf32, #tpu.memory_space<vmem>>, %arg11: memref<10240x8xf32, #tpu.memory_space<vmem_shared>>, %arg12: memref<10240x8xf32, #tpu.memory_space<vmem_shared>>) attributes {dimension_semantics = [#tpu.dimension_semantics<core_parallel>, #tpu.dimension_semantics<subcore_parallel>], iteration_bounds = array<i64: 2, 16>, scalar_prefetch = 0 : i64, scratch_operands = 6 : i64, tpu.core_type = #tpu.core_type<sc_vector_subcore>, window_params = [{transform_indices = #map}, {transform_indices = #map1}, {transform_indices = #map1}, {transform_indices = #map}, {transform_indices = #map2}]} {
    %mul3A = arith.constant 640 : i32
    %mul3A_0 = arith.muli %arg1, %mul3A : i32
    "tpu.region"() ({
      %run_scoped3A_31 = tpu.sem_alloc : memref<!tpu.dma_semaphore, #tpu.memory_space<semaphore_mem>>
      %dma_start3A = arith.constant 0 : i32
      %dma_start3A_32 = tpu.memref_slice %arg11[%mul3A_0, %dma_start3A] : memref<10240x8xf32, #tpu.memory_space<vmem_shared>> -> memref<640x8xf32, #tpu.memory_space<vmem_shared>>
      tpu.enqueue_dma source(%arg5 : memref<640x8xf32, #tpu.memory_space<hbm>>) target(%dma_start3A_32 : memref<640x8xf32, #tpu.memory_space<vmem_shared>>) target_semaphore(%run_scoped3A_31 : memref<!tpu.dma_semaphore, #tpu.memory_space<semaphore_mem>>)
      %dma_wait3A = arith.constant 0 : i32
      %dma_wait3A_33 = tpu.memref_slice %arg11[%mul3A_0, %dma_wait3A] : memref<10240x8xf32, #tpu.memory_space<vmem_shared>> -> memref<640x8xf32, #tpu.memory_space<vmem_shared>>
      tpu.wait_dma2 semaphore(%run_scoped3A_31 : memref<!tpu.dma_semaphore, #tpu.memory_space<semaphore_mem>>) src(%arg5 : memref<640x8xf32, #tpu.memory_space<hbm>>) dst(%dma_wait3A_33 : memref<640x8xf32, #tpu.memory_space<vmem_shared>>)
      tpu.yield
    }) : () -> ()
    %mul3A_1 = arith.constant 640 : i32
    %mul3A_2 = arith.muli %arg1, %mul3A_1 : i32
    "tpu.region"() ({
      %run_scoped3A_31 = tpu.sem_alloc : memref<!tpu.dma_semaphore, #tpu.memory_space<semaphore_mem>>
      %dma_start3A = arith.constant 0 : i32
      %dma_start3A_32 = tpu.memref_slice %arg12[%mul3A_2, %dma_start3A] : memref<10240x8xf32, #tpu.memory_space<vmem_shared>> -> memref<640x8xf32, #tpu.memory_space<vmem_shared>>
      tpu.enqueue_dma source(%arg5 : memref<640x8xf32, #tpu.memory_space<hbm>>) target(%dma_start3A_32 : memref<640x8xf32, #tpu.memory_space<vmem_shared>>) target_semaphore(%run_scoped3A_31 : memref<!tpu.dma_semaphore, #tpu.memory_space<semaphore_mem>>)
      %dma_wait3A = arith.constant 0 : i32
      %dma_wait3A_33 = tpu.memref_slice %arg12[%mul3A_2, %dma_wait3A] : memref<10240x8xf32, #tpu.memory_space<vmem_shared>> -> memref<640x8xf32, #tpu.memory_space<vmem_shared>>
      tpu.wait_dma2 semaphore(%run_scoped3A_31 : memref<!tpu.dma_semaphore, #tpu.memory_space<semaphore_mem>>) src(%arg5 : memref<640x8xf32, #tpu.memory_space<hbm>>) dst(%dma_wait3A_33 : memref<640x8xf32, #tpu.memory_space<vmem_shared>>)
      tpu.yield
    }) : () -> ()
    %barrier3A = arith.constant 0 : index
    tpu.barrier barrier_id(%barrier3A)
    %mul3A_3 = arith.constant 20000 : i32
    %mul3A_4 = arith.muli %arg1, %mul3A_3 : i32
    %add3A = arith.constant 0 : i32
    %add3A_5 = arith.addi %mul3A_4, %add3A : i32
    "tpu.region"() ({
      %run_scoped3A_31 = tpu.sem_alloc : memref<!tpu.dma_semaphore, #tpu.memory_space<semaphore_mem>>
      %dma_start3A = arith.constant 0 : i32
      %dma_start3A_32 = tpu.memref_slice %arg2[%add3A_5, %dma_start3A] : memref<320000x8xf32, #tpu.memory_space<hbm>> -> memref<10000x8xf32, #tpu.memory_space<hbm>>
      %dma_start3A_33 = arith.constant 0 : i32
      %dma_start3A_34 = tpu.memref_slice %arg2[%add3A_5, %dma_start3A_33] : memref<320000x8xf32, #tpu.memory_space<hbm>> -> memref<10000x8xf32, #tpu.memory_space<hbm>>
      tpu.enqueue_dma source(%dma_start3A_34 : memref<10000x8xf32, #tpu.memory_space<hbm>>) target(%arg7 : memref<10000x8xf32, #tpu.memory_space<vmem>>) target_semaphore(%run_scoped3A_31 : memref<!tpu.dma_semaphore, #tpu.memory_space<semaphore_mem>>)
      %dma_wait3A = arith.constant 0 : i32
      %dma_wait3A_35 = tpu.memref_slice %arg2[%add3A_5, %dma_wait3A] : memref<320000x8xf32, #tpu.memory_space<hbm>> -> memref<10000x8xf32, #tpu.memory_space<hbm>>
      %dma_wait3A_36 = arith.constant 0 : i32
      %dma_wait3A_37 = tpu.memref_slice %arg2[%add3A_5, %dma_wait3A_36] : memref<320000x8xf32, #tpu.memory_space<hbm>> -> memref<10000x8xf32, #tpu.memory_space<hbm>>
      tpu.wait_dma2 semaphore(%run_scoped3A_31 : memref<!tpu.dma_semaphore, #tpu.memory_space<semaphore_mem>>) src(%dma_wait3A_37 : memref<10000x8xf32, #tpu.memory_space<hbm>>) dst(%arg7 : memref<10000x8xf32, #tpu.memory_space<vmem>>)
      tpu.yield
    }) : () -> ()
    %scan3A = arith.constant 0 : i32
    %scan3A_6 = arith.constant 0 : i32
    %scan3A_7 = arith.constant 125 : i32
    %scan3A_8 = arith.addi %scan3A_6, %scan3A_7 : i32
    %scan3A_9 = arith.constant 1 : i32
    scf.for %scan3A_31 = %scan3A_6 to %scan3A_8 step %scan3A_9  : i32 {
      %mul3A_32 = arith.constant 20000 : i32
      %mul3A_33 = arith.muli %arg1, %mul3A_32 : i32
      %add3A_34 = arith.constant 0 : i32
      %add3A_35 = arith.addi %mul3A_33, %add3A_34 : i32
      %mul3A_36 = arith.constant 80 : i32
      %mul3A_37 = arith.muli %scan3A_31, %mul3A_36 : i32
      %add3A_38 = arith.addi %add3A_35, %mul3A_37 : i32
      "tpu.region"() ({
        %run_scoped3A_41 = tpu.sem_alloc : memref<!tpu.dma_semaphore, #tpu.memory_space<semaphore_mem>>
        %dma_start3A = tpu.memref_slice %arg3[%add3A_38] : memref<320000xi32, #tpu.memory_space<hbm>> -> memref<80xi32, #tpu.memory_space<hbm>>
        %dma_start3A_42 = tpu.memref_slice %arg3[%add3A_38] : memref<320000xi32, #tpu.memory_space<hbm>> -> memref<80xi32, #tpu.memory_space<hbm>>
        tpu.enqueue_dma source(%dma_start3A_42 : memref<80xi32, #tpu.memory_space<hbm>>) target(%arg8 : memref<80xi32, #tpu.memory_space<vmem>>) target_semaphore(%run_scoped3A_41 : memref<!tpu.dma_semaphore, #tpu.memory_space<semaphore_mem>>)
        %dma_wait3A = tpu.memref_slice %arg3[%add3A_38] : memref<320000xi32, #tpu.memory_space<hbm>> -> memref<80xi32, #tpu.memory_space<hbm>>
        %dma_wait3A_43 = tpu.memref_slice %arg3[%add3A_38] : memref<320000xi32, #tpu.memory_space<hbm>> -> memref<80xi32, #tpu.memory_space<hbm>>
        tpu.wait_dma2 semaphore(%run_scoped3A_41 : memref<!tpu.dma_semaphore, #tpu.memory_space<semaphore_mem>>) src(%dma_wait3A_43 : memref<80xi32, #tpu.memory_space<hbm>>) dst(%arg8 : memref<80xi32, #tpu.memory_space<vmem>>)
        tpu.yield
      }) : () -> ()
      "tpu.region"() ({
        %run_scoped3A_41 = tpu.sem_alloc : memref<!tpu.dma_semaphore, #tpu.memory_space<semaphore_mem>>
        %dma_start3A = tpu.memref_slice %arg4[%add3A_38] : memref<320000xi32, #tpu.memory_space<hbm>> -> memref<80xi32, #tpu.memory_space<hbm>>
        %dma_start3A_42 = tpu.memref_slice %arg4[%add3A_38] : memref<320000xi32, #tpu.memory_space<hbm>> -> memref<80xi32, #tpu.memory_space<hbm>>
        tpu.enqueue_dma source(%dma_start3A_42 : memref<80xi32, #tpu.memory_space<hbm>>) target(%arg9 : memref<80xi32, #tpu.memory_space<vmem>>) target_semaphore(%run_scoped3A_41 : memref<!tpu.dma_semaphore, #tpu.memory_space<semaphore_mem>>)
        %dma_wait3A = tpu.memref_slice %arg4[%add3A_38] : memref<320000xi32, #tpu.memory_space<hbm>> -> memref<80xi32, #tpu.memory_space<hbm>>
        %dma_wait3A_43 = tpu.memref_slice %arg4[%add3A_38] : memref<320000xi32, #tpu.memory_space<hbm>> -> memref<80xi32, #tpu.memory_space<hbm>>
        tpu.wait_dma2 semaphore(%run_scoped3A_41 : memref<!tpu.dma_semaphore, #tpu.memory_space<semaphore_mem>>) src(%dma_wait3A_43 : memref<80xi32, #tpu.memory_space<hbm>>) dst(%arg9 : memref<80xi32, #tpu.memory_space<vmem>>)
        tpu.yield
      }) : () -> ()
      %mul3A_39 = arith.constant 80 : i32
      %mul3A_40 = arith.muli %scan3A_31, %mul3A_39 : i32
      "tpu.region"() ({
        %run_scoped3A_41 = tpu.sem_alloc : memref<!tpu.dma_semaphore, #tpu.memory_space<semaphore_mem>>
        %dma_start3A = arith.constant 0 : i32
        %dma_start3A_42 = tpu.memref_slice %arg7[%mul3A_40, %dma_start3A] : memref<10000x8xf32, #tpu.memory_space<vmem>> -> memref<80x8xf32, #tpu.memory_space<vmem>>
        %dma_start3A_43 = arith.constant 0 : i32
        %dma_start3A_44 = arith.constant 0 : i32
        %dma_start3A_45 = tpu.memref_slice %arg11[%dma_start3A_43, %dma_start3A_44] : memref<10240x8xf32, #tpu.memory_space<vmem_shared>> -> memref<10240x8xf32, #tpu.memory_space<vmem_shared>>
        tpu.enqueue_indirect_dma source(%dma_start3A_42 : memref<80x8xf32, #tpu.memory_space<vmem>>) target(%dma_start3A_45 : memref<10240x8xf32, #tpu.memory_space<vmem_shared>>) offsets(%arg8 : memref<80xi32, #tpu.memory_space<vmem>>) semaphore(%run_scoped3A_41 : memref<!tpu.dma_semaphore, #tpu.memory_space<semaphore_mem>>) {add = true}
        %dma_wait3A = arith.constant 0 : i32
        %dma_wait3A_46 = tpu.memref_slice %arg7[%mul3A_40, %dma_wait3A] : memref<10000x8xf32, #tpu.memory_space<vmem>> -> memref<80x8xf32, #tpu.memory_space<vmem>>
        %dma_wait3A_47 = arith.constant 0 : i32
        %dma_wait3A_48 = arith.constant 0 : i32
        %dma_wait3A_49 = tpu.memref_slice %arg11[%dma_wait3A_47, %dma_wait3A_48] : memref<10240x8xf32, #tpu.memory_space<vmem_shared>> -> memref<10240x8xf32, #tpu.memory_space<vmem_shared>>
        tpu.wait_indirect_dma semaphore(%run_scoped3A_41 : memref<!tpu.dma_semaphore, #tpu.memory_space<semaphore_mem>>) src(%dma_wait3A_46 : memref<80x8xf32, #tpu.memory_space<vmem>>) dst(%dma_wait3A_49 : memref<10240x8xf32, #tpu.memory_space<vmem_shared>>)
        tpu.yield
      }) : () -> ()
      "tpu.region"() ({
        %run_scoped3A_41 = tpu.sem_alloc : memref<!tpu.dma_semaphore, #tpu.memory_space<semaphore_mem>>
        %dma_start3A = arith.constant 0 : i32
        %dma_start3A_42 = tpu.memref_slice %arg7[%mul3A_40, %dma_start3A] : memref<10000x8xf32, #tpu.memory_space<vmem>> -> memref<80x8xf32, #tpu.memory_space<vmem>>
        %dma_start3A_43 = arith.constant 0 : i32
        %dma_start3A_44 = arith.constant 0 : i32
        %dma_start3A_45 = tpu.memref_slice %arg12[%dma_start3A_43, %dma_start3A_44] : memref<10240x8xf32, #tpu.memory_space<vmem_shared>> -> memref<10240x8xf32, #tpu.memory_space<vmem_shared>>
        tpu.enqueue_indirect_dma source(%dma_start3A_42 : memref<80x8xf32, #tpu.memory_space<vmem>>) target(%dma_start3A_45 : memref<10240x8xf32, #tpu.memory_space<vmem_shared>>) offsets(%arg9 : memref<80xi32, #tpu.memory_space<vmem>>) semaphore(%run_scoped3A_41 : memref<!tpu.dma_semaphore, #tpu.memory_space<semaphore_mem>>) {add = true}
        %dma_wait3A = arith.constant 0 : i32
        %dma_wait3A_46 = tpu.memref_slice %arg7[%mul3A_40, %dma_wait3A] : memref<10000x8xf32, #tpu.memory_space<vmem>> -> memref<80x8xf32, #tpu.memory_space<vmem>>
        %dma_wait3A_47 = arith.constant 0 : i32
        %dma_wait3A_48 = arith.constant 0 : i32
        %dma_wait3A_49 = tpu.memref_slice %arg12[%dma_wait3A_47, %dma_wait3A_48] : memref<10240x8xf32, #tpu.memory_space<vmem_shared>> -> memref<10240x8xf32, #tpu.memory_space<vmem_shared>>
        tpu.wait_indirect_dma semaphore(%run_scoped3A_41 : memref<!tpu.dma_semaphore, #tpu.memory_space<semaphore_mem>>) src(%dma_wait3A_46 : memref<80x8xf32, #tpu.memory_space<vmem>>) dst(%dma_wait3A_49 : memref<10240x8xf32, #tpu.memory_space<vmem_shared>>)
        tpu.yield
      }) : () -> ()
    }
    %scan3A_10 = arith.constant 125 : i32
    %mul3A_11 = arith.constant 20000 : i32
    %mul3A_12 = arith.muli %arg1, %mul3A_11 : i32
    %add3A_13 = arith.constant 10000 : i32
    %add3A_14 = arith.addi %mul3A_12, %add3A_13 : i32
    "tpu.region"() ({
      %run_scoped3A_31 = tpu.sem_alloc : memref<!tpu.dma_semaphore, #tpu.memory_space<semaphore_mem>>
      %dma_start3A = arith.constant 0 : i32
      %dma_start3A_32 = tpu.memref_slice %arg2[%add3A_14, %dma_start3A] : memref<320000x8xf32, #tpu.memory_space<hbm>> -> memref<10000x8xf32, #tpu.memory_space<hbm>>
      %dma_start3A_33 = arith.constant 0 : i32
      %dma_start3A_34 = tpu.memref_slice %arg2[%add3A_14, %dma_start3A_33] : memref<320000x8xf32, #tpu.memory_space<hbm>> -> memref<10000x8xf32, #tpu.memory_space<hbm>>
      tpu.enqueue_dma source(%dma_start3A_34 : memref<10000x8xf32, #tpu.memory_space<hbm>>) target(%arg7 : memref<10000x8xf32, #tpu.memory_space<vmem>>) target_semaphore(%run_scoped3A_31 : memref<!tpu.dma_semaphore, #tpu.memory_space<semaphore_mem>>)
      %dma_wait3A = arith.constant 0 : i32
      %dma_wait3A_35 = tpu.memref_slice %arg2[%add3A_14, %dma_wait3A] : memref<320000x8xf32, #tpu.memory_space<hbm>> -> memref<10000x8xf32, #tpu.memory_space<hbm>>
      %dma_wait3A_36 = arith.constant 0 : i32
      %dma_wait3A_37 = tpu.memref_slice %arg2[%add3A_14, %dma_wait3A_36] : memref<320000x8xf32, #tpu.memory_space<hbm>> -> memref<10000x8xf32, #tpu.memory_space<hbm>>
      tpu.wait_dma2 semaphore(%run_scoped3A_31 : memref<!tpu.dma_semaphore, #tpu.memory_space<semaphore_mem>>) src(%dma_wait3A_37 : memref<10000x8xf32, #tpu.memory_space<hbm>>) dst(%arg7 : memref<10000x8xf32, #tpu.memory_space<vmem>>)
      tpu.yield
    }) : () -> ()
    %scan3A_15 = arith.constant 0 : i32
    %scan3A_16 = arith.constant 0 : i32
    %scan3A_17 = arith.constant 125 : i32
    %scan3A_18 = arith.addi %scan3A_16, %scan3A_17 : i32
    %scan3A_19 = arith.constant 1 : i32
    scf.for %scan3A_31 = %scan3A_16 to %scan3A_18 step %scan3A_19  : i32 {
      %mul3A_32 = arith.constant 20000 : i32
      %mul3A_33 = arith.muli %arg1, %mul3A_32 : i32
      %add3A_34 = arith.constant 10000 : i32
      %add3A_35 = arith.addi %mul3A_33, %add3A_34 : i32
      %mul3A_36 = arith.constant 80 : i32
      %mul3A_37 = arith.muli %scan3A_31, %mul3A_36 : i32
      %add3A_38 = arith.addi %add3A_35, %mul3A_37 : i32
      "tpu.region"() ({
        %run_scoped3A_41 = tpu.sem_alloc : memref<!tpu.dma_semaphore, #tpu.memory_space<semaphore_mem>>
        %dma_start3A = tpu.memref_slice %arg3[%add3A_38] : memref<320000xi32, #tpu.memory_space<hbm>> -> memref<80xi32, #tpu.memory_space<hbm>>
        %dma_start3A_42 = tpu.memref_slice %arg3[%add3A_38] : memref<320000xi32, #tpu.memory_space<hbm>> -> memref<80xi32, #tpu.memory_space<hbm>>
        tpu.enqueue_dma source(%dma_start3A_42 : memref<80xi32, #tpu.memory_space<hbm>>) target(%arg8 : memref<80xi32, #tpu.memory_space<vmem>>) target_semaphore(%run_scoped3A_41 : memref<!tpu.dma_semaphore, #tpu.memory_space<semaphore_mem>>)
        %dma_wait3A = tpu.memref_slice %arg3[%add3A_38] : memref<320000xi32, #tpu.memory_space<hbm>> -> memref<80xi32, #tpu.memory_space<hbm>>
        %dma_wait3A_43 = tpu.memref_slice %arg3[%add3A_38] : memref<320000xi32, #tpu.memory_space<hbm>> -> memref<80xi32, #tpu.memory_space<hbm>>
        tpu.wait_dma2 semaphore(%run_scoped3A_41 : memref<!tpu.dma_semaphore, #tpu.memory_space<semaphore_mem>>) src(%dma_wait3A_43 : memref<80xi32, #tpu.memory_space<hbm>>) dst(%arg8 : memref<80xi32, #tpu.memory_space<vmem>>)
        tpu.yield
      }) : () -> ()
      "tpu.region"() ({
        %run_scoped3A_41 = tpu.sem_alloc : memref<!tpu.dma_semaphore, #tpu.memory_space<semaphore_mem>>
        %dma_start3A = tpu.memref_slice %arg4[%add3A_38] : memref<320000xi32, #tpu.memory_space<hbm>> -> memref<80xi32, #tpu.memory_space<hbm>>
        %dma_start3A_42 = tpu.memref_slice %arg4[%add3A_38] : memref<320000xi32, #tpu.memory_space<hbm>> -> memref<80xi32, #tpu.memory_space<hbm>>
        tpu.enqueue_dma source(%dma_start3A_42 : memref<80xi32, #tpu.memory_space<hbm>>) target(%arg9 : memref<80xi32, #tpu.memory_space<vmem>>) target_semaphore(%run_scoped3A_41 : memref<!tpu.dma_semaphore, #tpu.memory_space<semaphore_mem>>)
        %dma_wait3A = tpu.memref_slice %arg4[%add3A_38] : memref<320000xi32, #tpu.memory_space<hbm>> -> memref<80xi32, #tpu.memory_space<hbm>>
        %dma_wait3A_43 = tpu.memref_slice %arg4[%add3A_38] : memref<320000xi32, #tpu.memory_space<hbm>> -> memref<80xi32, #tpu.memory_space<hbm>>
        tpu.wait_dma2 semaphore(%run_scoped3A_41 : memref<!tpu.dma_semaphore, #tpu.memory_space<semaphore_mem>>) src(%dma_wait3A_43 : memref<80xi32, #tpu.memory_space<hbm>>) dst(%arg9 : memref<80xi32, #tpu.memory_space<vmem>>)
        tpu.yield
      }) : () -> ()
      %mul3A_39 = arith.constant 80 : i32
      %mul3A_40 = arith.muli %scan3A_31, %mul3A_39 : i32
      "tpu.region"() ({
        %run_scoped3A_41 = tpu.sem_alloc : memref<!tpu.dma_semaphore, #tpu.memory_space<semaphore_mem>>
        %dma_start3A = arith.constant 0 : i32
        %dma_start3A_42 = tpu.memref_slice %arg7[%mul3A_40, %dma_start3A] : memref<10000x8xf32, #tpu.memory_space<vmem>> -> memref<80x8xf32, #tpu.memory_space<vmem>>
        %dma_start3A_43 = arith.constant 0 : i32
        %dma_start3A_44 = arith.constant 0 : i32
        %dma_start3A_45 = tpu.memref_slice %arg11[%dma_start3A_43, %dma_start3A_44] : memref<10240x8xf32, #tpu.memory_space<vmem_shared>> -> memref<10240x8xf32, #tpu.memory_space<vmem_shared>>
        tpu.enqueue_indirect_dma source(%dma_start3A_42 : memref<80x8xf32, #tpu.memory_space<vmem>>) target(%dma_start3A_45 : memref<10240x8xf32, #tpu.memory_space<vmem_shared>>) offsets(%arg8 : memref<80xi32, #tpu.memory_space<vmem>>) semaphore(%run_scoped3A_41 : memref<!tpu.dma_semaphore, #tpu.memory_space<semaphore_mem>>) {add = true}
        %dma_wait3A = arith.constant 0 : i32
        %dma_wait3A_46 = tpu.memref_slice %arg7[%mul3A_40, %dma_wait3A] : memref<10000x8xf32, #tpu.memory_space<vmem>> -> memref<80x8xf32, #tpu.memory_space<vmem>>
        %dma_wait3A_47 = arith.constant 0 : i32
        %dma_wait3A_48 = arith.constant 0 : i32
        %dma_wait3A_49 = tpu.memref_slice %arg11[%dma_wait3A_47, %dma_wait3A_48] : memref<10240x8xf32, #tpu.memory_space<vmem_shared>> -> memref<10240x8xf32, #tpu.memory_space<vmem_shared>>
        tpu.wait_indirect_dma semaphore(%run_scoped3A_41 : memref<!tpu.dma_semaphore, #tpu.memory_space<semaphore_mem>>) src(%dma_wait3A_46 : memref<80x8xf32, #tpu.memory_space<vmem>>) dst(%dma_wait3A_49 : memref<10240x8xf32, #tpu.memory_space<vmem_shared>>)
        tpu.yield
      }) : () -> ()
      "tpu.region"() ({
        %run_scoped3A_41 = tpu.sem_alloc : memref<!tpu.dma_semaphore, #tpu.memory_space<semaphore_mem>>
        %dma_start3A = arith.constant 0 : i32
        %dma_start3A_42 = tpu.memref_slice %arg7[%mul3A_40, %dma_start3A] : memref<10000x8xf32, #tpu.memory_space<vmem>> -> memref<80x8xf32, #tpu.memory_space<vmem>>
        %dma_start3A_43 = arith.constant 0 : i32
        %dma_start3A_44 = arith.constant 0 : i32
        %dma_start3A_45 = tpu.memref_slice %arg12[%dma_start3A_43, %dma_start3A_44] : memref<10240x8xf32, #tpu.memory_space<vmem_shared>> -> memref<10240x8xf32, #tpu.memory_space<vmem_shared>>
        tpu.enqueue_indirect_dma source(%dma_start3A_42 : memref<80x8xf32, #tpu.memory_space<vmem>>) target(%dma_start3A_45 : memref<10240x8xf32, #tpu.memory_space<vmem_shared>>) offsets(%arg9 : memref<80xi32, #tpu.memory_space<vmem>>) semaphore(%run_scoped3A_41 : memref<!tpu.dma_semaphore, #tpu.memory_space<semaphore_mem>>) {add = true}
        %dma_wait3A = arith.constant 0 : i32
        %dma_wait3A_46 = tpu.memref_slice %arg7[%mul3A_40, %dma_wait3A] : memref<10000x8xf32, #tpu.memory_space<vmem>> -> memref<80x8xf32, #tpu.memory_space<vmem>>
        %dma_wait3A_47 = arith.constant 0 : i32
        %dma_wait3A_48 = arith.constant 0 : i32
        %dma_wait3A_49 = tpu.memref_slice %arg12[%dma_wait3A_47, %dma_wait3A_48] : memref<10240x8xf32, #tpu.memory_space<vmem_shared>> -> memref<10240x8xf32, #tpu.memory_space<vmem_shared>>
        tpu.wait_indirect_dma semaphore(%run_scoped3A_41 : memref<!tpu.dma_semaphore, #tpu.memory_space<semaphore_mem>>) src(%dma_wait3A_46 : memref<80x8xf32, #tpu.memory_space<vmem>>) dst(%dma_wait3A_49 : memref<10240x8xf32, #tpu.memory_space<vmem_shared>>)
        tpu.yield
      }) : () -> ()
    }
    %scan3A_20 = arith.constant 125 : i32
    %barrier3A_21 = arith.constant 0 : index
    tpu.barrier barrier_id(%barrier3A_21)
    %mul3A_22 = arith.constant 640 : i32
    %mul3A_23 = arith.muli %arg1, %mul3A_22 : i32
    "tpu.region"() ({
      %run_scoped3A_31 = tpu.sem_alloc : memref<!tpu.dma_semaphore, #tpu.memory_space<semaphore_mem>>
      %dma_start3A = arith.constant 0 : i32
      %dma_start3A_32 = tpu.memref_slice %arg11[%mul3A_23, %dma_start3A] : memref<10240x8xf32, #tpu.memory_space<vmem_shared>> -> memref<640x8xf32, #tpu.memory_space<vmem_shared>>
      %dma_start3A_33 = arith.constant 0 : i32
      %dma_start3A_34 = tpu.memref_slice %arg11[%mul3A_23, %dma_start3A_33] : memref<10240x8xf32, #tpu.memory_space<vmem_shared>> -> memref<640x8xf32, #tpu.memory_space<vmem_shared>>
      tpu.enqueue_dma source(%dma_start3A_34 : memref<640x8xf32, #tpu.memory_space<vmem_shared>>) target(%arg10 : memref<640x8xf32, #tpu.memory_space<vmem>>) target_semaphore(%run_scoped3A_31 : memref<!tpu.dma_semaphore, #tpu.memory_space<semaphore_mem>>)
      %dma_wait3A = arith.constant 0 : i32
      %dma_wait3A_35 = tpu.memref_slice %arg11[%mul3A_23, %dma_wait3A] : memref<10240x8xf32, #tpu.memory_space<vmem_shared>> -> memref<640x8xf32, #tpu.memory_space<vmem_shared>>
      %dma_wait3A_36 = arith.constant 0 : i32
      %dma_wait3A_37 = tpu.memref_slice %arg11[%mul3A_23, %dma_wait3A_36] : memref<10240x8xf32, #tpu.memory_space<vmem_shared>> -> memref<640x8xf32, #tpu.memory_space<vmem_shared>>
      tpu.wait_dma2 semaphore(%run_scoped3A_31 : memref<!tpu.dma_semaphore, #tpu.memory_space<semaphore_mem>>) src(%dma_wait3A_37 : memref<640x8xf32, #tpu.memory_space<vmem_shared>>) dst(%arg10 : memref<640x8xf32, #tpu.memory_space<vmem>>)
      tpu.yield
    }) : () -> ()
    %mul3A_24 = arith.constant 640 : i32
    %mul3A_25 = arith.muli %arg1, %mul3A_24 : i32
    %run_scoped3A = arith.constant 0 : i32
    "tpu.region"() ({
      %run_scoped3A_31 = tpu.sem_alloc : memref<!tpu.dma_semaphore, #tpu.memory_space<semaphore_mem>>
      %dma_start3A = arith.constant 0 : i32
      %dma_start3A_32 = tpu.memref_slice %arg6[%run_scoped3A, %mul3A_25, %dma_start3A] : memref<2x10240x8xf32, #tpu.memory_space<hbm>> -> memref<1x640x8xf32, #tpu.memory_space<hbm>>
      %dma_start3A_33 = tpu.memref_squeeze %dma_start3A_32 : memref<1x640x8xf32, #tpu.memory_space<hbm>> -> memref<640x8xf32, #tpu.memory_space<hbm>>
      %dma_start3A_34 = arith.constant 0 : i32
      %dma_start3A_35 = tpu.memref_slice %arg6[%run_scoped3A, %mul3A_25, %dma_start3A_34] : memref<2x10240x8xf32, #tpu.memory_space<hbm>> -> memref<1x640x8xf32, #tpu.memory_space<hbm>>
      %dma_start3A_36 = tpu.memref_squeeze %dma_start3A_35 : memref<1x640x8xf32, #tpu.memory_space<hbm>> -> memref<640x8xf32, #tpu.memory_space<hbm>>
      tpu.enqueue_dma source(%arg10 : memref<640x8xf32, #tpu.memory_space<vmem>>) target(%dma_start3A_36 : memref<640x8xf32, #tpu.memory_space<hbm>>) target_semaphore(%run_scoped3A_31 : memref<!tpu.dma_semaphore, #tpu.memory_space<semaphore_mem>>)
      %dma_wait3A = arith.constant 0 : i32
      %dma_wait3A_37 = tpu.memref_slice %arg6[%run_scoped3A, %mul3A_25, %dma_wait3A] : memref<2x10240x8xf32, #tpu.memory_space<hbm>> -> memref<1x640x8xf32, #tpu.memory_space<hbm>>
      %dma_wait3A_38 = tpu.memref_squeeze %dma_wait3A_37 : memref<1x640x8xf32, #tpu.memory_space<hbm>> -> memref<640x8xf32, #tpu.memory_space<hbm>>
      %dma_wait3A_39 = arith.constant 0 : i32
      %dma_wait3A_40 = tpu.memref_slice %arg6[%run_scoped3A, %mul3A_25, %dma_wait3A_39] : memref<2x10240x8xf32, #tpu.memory_space<hbm>> -> memref<1x640x8xf32, #tpu.memory_space<hbm>>
      %dma_wait3A_41 = tpu.memref_squeeze %dma_wait3A_40 : memref<1x640x8xf32, #tpu.memory_space<hbm>> -> memref<640x8xf32, #tpu.memory_space<hbm>>
      tpu.wait_dma2 semaphore(%run_scoped3A_31 : memref<!tpu.dma_semaphore, #tpu.memory_space<semaphore_mem>>) src(%arg10 : memref<640x8xf32, #tpu.memory_space<vmem>>) dst(%dma_wait3A_41 : memref<640x8xf32, #tpu.memory_space<hbm>>)
      tpu.yield
    }) : () -> ()
    %mul3A_26 = arith.constant 640 : i32
    %mul3A_27 = arith.muli %arg1, %mul3A_26 : i32
    "tpu.region"() ({
      %run_scoped3A_31 = tpu.sem_alloc : memref<!tpu.dma_semaphore, #tpu.memory_space<semaphore_mem>>
      %dma_start3A = arith.constant 0 : i32
      %dma_start3A_32 = tpu.memref_slice %arg12[%mul3A_27, %dma_start3A] : memref<10240x8xf32, #tpu.memory_space<vmem_shared>> -> memref<640x8xf32, #tpu.memory_space<vmem_shared>>
      %dma_start3A_33 = arith.constant 0 : i32
      %dma_start3A_34 = tpu.memref_slice %arg12[%mul3A_27, %dma_start3A_33] : memref<10240x8xf32, #tpu.memory_space<vmem_shared>> -> memref<640x8xf32, #tpu.memory_space<vmem_shared>>
      tpu.enqueue_dma source(%dma_start3A_34 : memref<640x8xf32, #tpu.memory_space<vmem_shared>>) target(%arg10 : memref<640x8xf32, #tpu.memory_space<vmem>>) target_semaphore(%run_scoped3A_31 : memref<!tpu.dma_semaphore, #tpu.memory_space<semaphore_mem>>)
      %dma_wait3A = arith.constant 0 : i32
      %dma_wait3A_35 = tpu.memref_slice %arg12[%mul3A_27, %dma_wait3A] : memref<10240x8xf32, #tpu.memory_space<vmem_shared>> -> memref<640x8xf32, #tpu.memory_space<vmem_shared>>
      %dma_wait3A_36 = arith.constant 0 : i32
      %dma_wait3A_37 = tpu.memref_slice %arg12[%mul3A_27, %dma_wait3A_36] : memref<10240x8xf32, #tpu.memory_space<vmem_shared>> -> memref<640x8xf32, #tpu.memory_space<vmem_shared>>
      tpu.wait_dma2 semaphore(%run_scoped3A_31 : memref<!tpu.dma_semaphore, #tpu.memory_space<semaphore_mem>>) src(%dma_wait3A_37 : memref<640x8xf32, #tpu.memory_space<vmem_shared>>) dst(%arg10 : memref<640x8xf32, #tpu.memory_space<vmem>>)
      tpu.yield
    }) : () -> ()
    %mul3A_28 = arith.constant 640 : i32
    %mul3A_29 = arith.muli %arg1, %mul3A_28 : i32
    %run_scoped3A_30 = arith.constant 1 : i32
    "tpu.region"() ({
      %run_scoped3A_31 = tpu.sem_alloc : memref<!tpu.dma_semaphore, #tpu.memory_space<semaphore_mem>>
      %dma_start3A = arith.constant 0 : i32
      %dma_start3A_32 = tpu.memref_slice %arg6[%run_scoped3A_30, %mul3A_29, %dma_start3A] : memref<2x10240x8xf32, #tpu.memory_space<hbm>> -> memref<1x640x8xf32, #tpu.memory_space<hbm>>
      %dma_start3A_33 = tpu.memref_squeeze %dma_start3A_32 : memref<1x640x8xf32, #tpu.memory_space<hbm>> -> memref<640x8xf32, #tpu.memory_space<hbm>>
      %dma_start3A_34 = arith.constant 0 : i32
      %dma_start3A_35 = tpu.memref_slice %arg6[%run_scoped3A_30, %mul3A_29, %dma_start3A_34] : memref<2x10240x8xf32, #tpu.memory_space<hbm>> -> memref<1x640x8xf32, #tpu.memory_space<hbm>>
      %dma_start3A_36 = tpu.memref_squeeze %dma_start3A_35 : memref<1x640x8xf32, #tpu.memory_space<hbm>> -> memref<640x8xf32, #tpu.memory_space<hbm>>
      tpu.enqueue_dma source(%arg10 : memref<640x8xf32, #tpu.memory_space<vmem>>) target(%dma_start3A_36 : memref<640x8xf32, #tpu.memory_space<hbm>>) target_semaphore(%run_scoped3A_31 : memref<!tpu.dma_semaphore, #tpu.memory_space<semaphore_mem>>)
      %dma_wait3A = arith.constant 0 : i32
      %dma_wait3A_37 = tpu.memref_slice %arg6[%run_scoped3A_30, %mul3A_29, %dma_wait3A] : memref<2x10240x8xf32, #tpu.memory_space<hbm>> -> memref<1x640x8xf32, #tpu.memory_space<hbm>>
      %dma_wait3A_38 = tpu.memref_squeeze %dma_wait3A_37 : memref<1x640x8xf32, #tpu.memory_space<hbm>> -> memref<640x8xf32, #tpu.memory_space<hbm>>
      %dma_wait3A_39 = arith.constant 0 : i32
      %dma_wait3A_40 = tpu.memref_slice %arg6[%run_scoped3A_30, %mul3A_29, %dma_wait3A_39] : memref<2x10240x8xf32, #tpu.memory_space<hbm>> -> memref<1x640x8xf32, #tpu.memory_space<hbm>>
      %dma_wait3A_41 = tpu.memref_squeeze %dma_wait3A_40 : memref<1x640x8xf32, #tpu.memory_space<hbm>> -> memref<640x8xf32, #tpu.memory_space<hbm>>
      tpu.wait_dma2 semaphore(%run_scoped3A_31 : memref<!tpu.dma_semaphore, #tpu.memory_space<semaphore_mem>>) src(%arg10 : memref<640x8xf32, #tpu.memory_space<vmem>>) dst(%dma_wait3A_41 : memref<640x8xf32, #tpu.memory_space<hbm>>)
      tpu.yield
    }) : () -> ()
    return
  }
}

module attributes {stable_mosaic.version = 14 : i64} {
  func.func @_edge_body(%arg0: i32, %arg1: memref<4000x4xf32, #tpu.memory_space<vmem>>, %arg2: memref<4x10xf32, #tpu.memory_space<vmem>>, %arg3: memref<1x10xf32, #tpu.memory_space<vmem>>, %arg4: memref<10x1xf32, #tpu.memory_space<vmem>>, %arg5: memref<1x1xf32, #tpu.memory_space<vmem>>, %arg6: memref<4000x1xf32, #tpu.memory_space<vmem>>) attributes {dimension_semantics = [#tpu.dimension_semantics<arbitrary>], iteration_bounds = array<i64: 80>, scalar_prefetch = 0 : i64, scratch_operands = 0 : i64, tpu.core_type = #tpu.core_type<tc>, window_params = [{transform_indices = @transform_0, window_bounds = array<i64: 4000, 4>}, {pipeline_mode = #tpu.pipeline_mode<synchronous>, transform_indices = @transform_1, window_bounds = array<i64: 4, 10>}, {pipeline_mode = #tpu.pipeline_mode<synchronous>, transform_indices = @transform_2, window_bounds = array<i64: 1, 10>}, {pipeline_mode = #tpu.pipeline_mode<synchronous>, transform_indices = @transform_3, window_bounds = array<i64: 10, 1>}, {pipeline_mode = #tpu.pipeline_mode<synchronous>, transform_indices = @transform_4, window_bounds = array<i64: 1, 1>}, {transform_indices = @transform_5, window_bounds = array<i64: 4000, 1>}]} {
    %get3A = arith.constant 0 : index
    %get3A_0 = arith.constant 0 : index
    %get3A_1 = vector.load %arg2[%get3A, %get3A_0] : memref<4x10xf32, #tpu.memory_space<vmem>>, vector<4x10xf32>
    %get3A_2 = arith.constant 0 : index
    %get3A_3 = arith.constant 0 : index
    %get3A_4 = vector.load %arg4[%get3A_2, %get3A_3] : memref<10x1xf32, #tpu.memory_space<vmem>>, vector<10x1xf32>
    %dot_general3A = arith.constant dense<0.000000e+00> : vector<4x1xf32>
    %dot_general3A_5 = tpu.matmul %get3A_1, %get3A_4, %dot_general3A {dimension_numbers = #tpu.dot_dimension_numbers<[1], [0], [0], [1], [0, 0, 1, 1], [], []>, transpose_lhs_hint = false} : vector<4x10xf32>, vector<10x1xf32>, vector<4x1xf32> -> vector<4x1xf32>
    %get3A_6 = arith.constant 0 : index
    %get3A_7 = arith.constant 0 : index
    %get3A_8 = vector.load %arg3[%get3A_6, %get3A_7] : memref<1x10xf32, #tpu.memory_space<vmem>>, vector<1x10xf32>
    %get3A_9 = arith.constant 0 : index
    %get3A_10 = arith.constant 0 : index
    %get3A_11 = vector.load %arg4[%get3A_9, %get3A_10] : memref<10x1xf32, #tpu.memory_space<vmem>>, vector<10x1xf32>
    %dot_general3A_12 = arith.constant dense<0.000000e+00> : vector<1x1xf32>
    %dot_general3A_13 = tpu.matmul %get3A_8, %get3A_11, %dot_general3A_12 {dimension_numbers = #tpu.dot_dimension_numbers<[1], [0], [0], [1], [0, 0, 1, 1], [], []>, transpose_lhs_hint = false} : vector<1x10xf32>, vector<10x1xf32>, vector<1x1xf32> -> vector<1x1xf32>
    %get3A_14 = arith.constant 0 : index
    %get3A_15 = arith.constant 0 : index
    %get3A_16 = vector.load %arg5[%get3A_14, %get3A_15] : memref<1x1xf32, #tpu.memory_space<vmem>>, vector<1x1xf32>
    %add3A = arith.addf %dot_general3A_13, %get3A_16 : vector<1x1xf32>
    %get3A_17 = arith.constant 0 : index
    %get3A_18 = arith.constant 0 : index
    %get3A_19 = vector.load %arg1[%get3A_17, %get3A_18] : memref<4000x4xf32, #tpu.memory_space<vmem>>, vector<4000x4xf32>
    %dot_general3A_20 = arith.constant dense<0.000000e+00> : vector<4000x1xf32>
    %dot_general3A_21 = tpu.matmul %get3A_19, %dot_general3A_5, %dot_general3A_20 {dimension_numbers = #tpu.dot_dimension_numbers<[1], [0], [0], [1], [0, 0, 1, 1], [], []>, transpose_lhs_hint = false} : vector<4000x4xf32>, vector<4x1xf32>, vector<4000x1xf32> -> vector<4000x1xf32>
    %add3A_22 = vector.broadcast %add3A : vector<1x1xf32> to vector<4000x1xf32>
    %add3A_23 = arith.addf %dot_general3A_21, %add3A_22 : vector<4000x1xf32>
    %swap3A = arith.constant 0 : index
    %swap3A_24 = arith.constant 0 : index
    %swap3A_25 = vector.load %arg6[%swap3A, %swap3A_24] : memref<4000x1xf32, #tpu.memory_space<vmem>>, vector<4000x1xf32>
    tpu.vector_store %arg6[%swap3A, %swap3A_24], %add3A_23 {strides = array<i32>} : memref<4000x1xf32, #tpu.memory_space<vmem>>, vector<4000x1xf32>,
    return
  }
  func.func @transform_0(%arg0: i32) -> (i32, i32) {
    %c0_i32 = arith.constant 0 : i32
    %c0_i32_0 = arith.constant 0 : i32
    return %arg0, %c0_i32 : i32, i32
  }
  func.func @transform_1(%arg0: i32) -> (i32, i32) {
    %c0_i32 = arith.constant 0 : i32
    %c0_i32_0 = arith.constant 0 : i32
    %c0_i32_1 = arith.constant 0 : i32
    return %c0_i32, %c0_i32_0 : i32, i32
  }
  func.func @transform_2(%arg0: i32) -> (i32, i32) {
    %c0_i32 = arith.constant 0 : i32
    %c0_i32_0 = arith.constant 0 : i32
    %c0_i32_1 = arith.constant 0 : i32
    return %c0_i32, %c0_i32_0 : i32, i32
  }
  func.func @transform_3(%arg0: i32) -> (i32, i32) {
    %c0_i32 = arith.constant 0 : i32
    %c0_i32_0 = arith.constant 0 : i32
    %c0_i32_1 = arith.constant 0 : i32
    return %c0_i32, %c0_i32_0 : i32, i32
  }
  func.func @transform_4(%arg0: i32) -> (i32, i32) {
    %c0_i32 = arith.constant 0 : i32
    %c0_i32_0 = arith.constant 0 : i32
    %c0_i32_1 = arith.constant 0 : i32
    return %c0_i32, %c0_i32_0 : i32, i32
  }
  func.func @transform_5(%arg0: i32) -> (i32, i32) {
    %c0_i32 = arith.constant 0 : i32
    %c0_i32_0 = arith.constant 0 : i32
    return %arg0, %c0_i32 : i32, i32
  }
}

module attributes {stable_mosaic.version = 14 : i64} {
  func.func @_node_body(%arg0: memref<10000x128xf32, #tpu.memory_space<vmem>>, %arg1: memref<2x10240x8xf32, #tpu.memory_space<vmem>>, %arg2: memref<128x10xf32, #tpu.memory_space<vmem>>, %arg3: memref<1x10xf32, #tpu.memory_space<vmem>>, %arg4: memref<4x10xf32, #tpu.memory_space<vmem>>, %arg5: memref<1x10xf32, #tpu.memory_space<vmem>>, %arg6: memref<34x10xf32, #tpu.memory_space<vmem>>, %arg7: memref<1x10xf32, #tpu.memory_space<vmem>>, %arg8: memref<10x10xf32, #tpu.memory_space<vmem>>, %arg9: memref<1x10xf32, #tpu.memory_space<vmem>>, %arg10: memref<10x1xf32, #tpu.memory_space<vmem>>, %arg11: memref<1x1xf32, #tpu.memory_space<vmem>>, %arg12: memref<1x4xf32, #tpu.memory_space<vmem>>, %arg13: memref<10000x1xf32, #tpu.memory_space<vmem>>) attributes {dimension_semantics = [], scalar_prefetch = 0 : i64, scratch_operands = 0 : i64, tpu.core_type = #tpu.core_type<tc>} {
    %get3A = arith.constant 0 : index
    %get3A_0 = arith.constant 0 : index
    %get3A_1 = arith.constant 0 : index
    %get3A_2 = vector.load %arg1[%get3A, %get3A_0, %get3A_1] : memref<2x10240x8xf32, #tpu.memory_space<vmem>>, vector<1x10000x4xf32>
    %get3A_3 = vector.shape_cast %get3A_2 : vector<1x10000x4xf32> to vector<10000x4xf32>
    %get3A_4 = arith.constant 0 : index
    %get3A_5 = arith.constant 0 : index
    %get3A_6 = arith.constant 4 : index
    %get3A_7 = vector.load %arg1[%get3A_4, %get3A_5, %get3A_6] : memref<2x10240x8xf32, #tpu.memory_space<vmem>>, vector<1x10000x1xf32>
    %get3A_8 = vector.shape_cast %get3A_7 : vector<1x10000x1xf32> to vector<10000x1xf32>
    %get3A_9 = arith.constant 1 : index
    %get3A_10 = arith.constant 0 : index
    %get3A_11 = arith.constant 0 : index
    %get3A_12 = vector.load %arg1[%get3A_9, %get3A_10, %get3A_11] : memref<2x10240x8xf32, #tpu.memory_space<vmem>>, vector<1x10000x4xf32>
    %get3A_13 = vector.shape_cast %get3A_12 : vector<1x10000x4xf32> to vector<10000x4xf32>
    %get3A_14 = arith.constant 1 : index
    %get3A_15 = arith.constant 0 : index
    %get3A_16 = arith.constant 4 : index
    %get3A_17 = vector.load %arg1[%get3A_14, %get3A_15, %get3A_16] : memref<2x10240x8xf32, #tpu.memory_space<vmem>>, vector<1x10000x1xf32>
    %get3A_18 = vector.shape_cast %get3A_17 : vector<1x10000x1xf32> to vector<10000x1xf32>
    %get3A_19 = arith.constant 0 : index
    %get3A_20 = arith.constant 0 : index
    %get3A_21 = vector.load %arg6[%get3A_19, %get3A_20] : memref<34x10xf32, #tpu.memory_space<vmem>>, vector<34x10xf32>
    %get3A_22 = arith.constant 0 : index
    %get3A_23 = arith.constant 0 : index
    %get3A_24 = vector.load %arg2[%get3A_22, %get3A_23] : memref<128x10xf32, #tpu.memory_space<vmem>>, vector<128x10xf32>
    %slice3A = vector.extract_strided_slice %get3A_21 {offsets = [0, 0], sizes = [10, 10], strides = [1, 1]} : vector<34x10xf32> to vector<10x10xf32>
    %dot_general3A = arith.constant dense<0.000000e+00> : vector<128x10xf32>
    %dot_general3A_25 = tpu.matmul %get3A_24, %slice3A, %dot_general3A {dimension_numbers = #tpu.dot_dimension_numbers<[1], [0], [0], [1], [0, 0, 1, 1], [], []>, transpose_lhs_hint = false} : vector<128x10xf32>, vector<10x10xf32>, vector<128x10xf32> -> vector<128x10xf32>
    %get3A_26 = arith.constant 0 : index
    %get3A_27 = arith.constant 0 : index
    %get3A_28 = vector.load %arg4[%get3A_26, %get3A_27] : memref<4x10xf32, #tpu.memory_space<vmem>>, vector<4x10xf32>
    %slice3A_29 = vector.extract_strided_slice %get3A_21 {offsets = [10, 0], sizes = [10, 10], strides = [1, 1]} : vector<34x10xf32> to vector<10x10xf32>
    %dot_general3A_30 = arith.constant dense<0.000000e+00> : vector<4x10xf32>
    %dot_general3A_31 = tpu.matmul %get3A_28, %slice3A_29, %dot_general3A_30 {dimension_numbers = #tpu.dot_dimension_numbers<[1], [0], [0], [1], [0, 0, 1, 1], [], []>, transpose_lhs_hint = false} : vector<4x10xf32>, vector<10x10xf32>, vector<4x10xf32> -> vector<4x10xf32>
    %get3A_32 = arith.constant 0 : index
    %get3A_33 = arith.constant 0 : index
    %get3A_34 = vector.load %arg4[%get3A_32, %get3A_33] : memref<4x10xf32, #tpu.memory_space<vmem>>, vector<4x10xf32>
    %slice3A_35 = vector.extract_strided_slice %get3A_21 {offsets = [20, 0], sizes = [10, 10], strides = [1, 1]} : vector<34x10xf32> to vector<10x10xf32>
    %dot_general3A_36 = arith.constant dense<0.000000e+00> : vector<4x10xf32>
    %dot_general3A_37 = tpu.matmul %get3A_34, %slice3A_35, %dot_general3A_36 {dimension_numbers = #tpu.dot_dimension_numbers<[1], [0], [0], [1], [0, 0, 1, 1], [], []>, transpose_lhs_hint = false} : vector<4x10xf32>, vector<10x10xf32>, vector<4x10xf32> -> vector<4x10xf32>
    %get3A_38 = arith.constant 0 : index
    %get3A_39 = arith.constant 0 : index
    %get3A_40 = vector.load %arg5[%get3A_38, %get3A_39] : memref<1x10xf32, #tpu.memory_space<vmem>>, vector<1x10xf32>
    %slice3A_41 = vector.extract_strided_slice %get3A_21 {offsets = [10, 0], sizes = [10, 10], strides = [1, 1]} : vector<34x10xf32> to vector<10x10xf32>
    %dot_general3A_42 = arith.constant dense<0.000000e+00> : vector<1x10xf32>
    %dot_general3A_43 = tpu.matmul %get3A_40, %slice3A_41, %dot_general3A_42 {dimension_numbers = #tpu.dot_dimension_numbers<[1], [0], [0], [1], [0, 0, 1, 1], [], []>, transpose_lhs_hint = false} : vector<1x10xf32>, vector<10x10xf32>, vector<1x10xf32> -> vector<1x10xf32>
    %get3A_44 = arith.constant 0 : index
    %get3A_45 = arith.constant 0 : index
    %get3A_46 = vector.load %arg5[%get3A_44, %get3A_45] : memref<1x10xf32, #tpu.memory_space<vmem>>, vector<1x10xf32>
    %slice3A_47 = vector.extract_strided_slice %get3A_21 {offsets = [20, 0], sizes = [10, 10], strides = [1, 1]} : vector<34x10xf32> to vector<10x10xf32>
    %dot_general3A_48 = arith.constant dense<0.000000e+00> : vector<1x10xf32>
    %dot_general3A_49 = tpu.matmul %get3A_46, %slice3A_47, %dot_general3A_48 {dimension_numbers = #tpu.dot_dimension_numbers<[1], [0], [0], [1], [0, 0, 1, 1], [], []>, transpose_lhs_hint = false} : vector<1x10xf32>, vector<10x10xf32>, vector<1x10xf32> -> vector<1x10xf32>
    %get3A_50 = arith.constant 0 : index
    %get3A_51 = arith.constant 0 : index
    %get3A_52 = vector.load %arg3[%get3A_50, %get3A_51] : memref<1x10xf32, #tpu.memory_space<vmem>>, vector<1x10xf32>
    %slice3A_53 = vector.extract_strided_slice %get3A_21 {offsets = [0, 0], sizes = [10, 10], strides = [1, 1]} : vector<34x10xf32> to vector<10x10xf32>
    %dot_general3A_54 = arith.constant dense<0.000000e+00> : vector<1x10xf32>
    %dot_general3A_55 = tpu.matmul %get3A_52, %slice3A_53, %dot_general3A_54 {dimension_numbers = #tpu.dot_dimension_numbers<[1], [0], [0], [1], [0, 0, 1, 1], [], []>, transpose_lhs_hint = false} : vector<1x10xf32>, vector<10x10xf32>, vector<1x10xf32> -> vector<1x10xf32>
    %get3A_56 = arith.constant 0 : index
    %get3A_57 = arith.constant 0 : index
    %get3A_58 = vector.load %arg12[%get3A_56, %get3A_57] : memref<1x4xf32, #tpu.memory_space<vmem>>, vector<1x4xf32>
    %slice3A_59 = vector.extract_strided_slice %get3A_21 {offsets = [30, 0], sizes = [4, 10], strides = [1, 1]} : vector<34x10xf32> to vector<4x10xf32>
    %dot_general3A_60 = arith.constant dense<0.000000e+00> : vector<1x10xf32>
    %dot_general3A_61 = tpu.matmul %get3A_58, %slice3A_59, %dot_general3A_60 {dimension_numbers = #tpu.dot_dimension_numbers<[1], [0], [0], [1], [0, 0, 1, 1], [], []>, transpose_lhs_hint = false} : vector<1x4xf32>, vector<4x10xf32>, vector<1x10xf32> -> vector<1x10xf32>
    %add3A = arith.addf %dot_general3A_55, %dot_general3A_61 : vector<1x10xf32>
    %get3A_62 = arith.constant 0 : index
    %get3A_63 = arith.constant 0 : index
    %get3A_64 = vector.load %arg7[%get3A_62, %get3A_63] : memref<1x10xf32, #tpu.memory_space<vmem>>, vector<1x10xf32>
    %add3A_65 = arith.addf %add3A, %get3A_64 : vector<1x10xf32>
    %get3A_66 = arith.constant 0 : index
    %get3A_67 = arith.constant 0 : index
    %get3A_68 = vector.load %arg0[%get3A_66, %get3A_67] : memref<10000x128xf32, #tpu.memory_space<vmem>>, vector<10000x128xf32>
    %dot_general3A_69 = arith.constant dense<0.000000e+00> : vector<10000x10xf32>
    %dot_general3A_70 = tpu.matmul %get3A_68, %dot_general3A_25, %dot_general3A_69 {dimension_numbers = #tpu.dot_dimension_numbers<[1], [0], [0], [1], [0, 0, 1, 1], [], []>, transpose_lhs_hint = false} : vector<10000x128xf32>, vector<128x10xf32>, vector<10000x10xf32> -> vector<10000x10xf32>
    %dot_general3A_71 = arith.constant dense<0.000000e+00> : vector<10000x10xf32>
    %dot_general3A_72 = tpu.matmul %get3A_3, %dot_general3A_31, %dot_general3A_71 {dimension_numbers = #tpu.dot_dimension_numbers<[1], [0], [0], [1], [0, 0, 1, 1], [], []>, transpose_lhs_hint = false} : vector<10000x4xf32>, vector<4x10xf32>, vector<10000x10xf32> -> vector<10000x10xf32>
    %add3A_73 = arith.addf %dot_general3A_70, %dot_general3A_72 : vector<10000x10xf32>
    %mul3A = vector.broadcast %get3A_8 : vector<10000x1xf32> to vector<10000x10xf32>
    %mul3A_74 = vector.broadcast %dot_general3A_43 : vector<1x10xf32> to vector<10000x10xf32>
    %mul3A_75 = arith.mulf %mul3A, %mul3A_74 : vector<10000x10xf32>
    %add3A_76 = arith.addf %add3A_73, %mul3A_75 : vector<10000x10xf32>
    %dot_general3A_77 = arith.constant dense<0.000000e+00> : vector<10000x10xf32>
    %dot_general3A_78 = tpu.matmul %get3A_13, %dot_general3A_37, %dot_general3A_77 {dimension_numbers = #tpu.dot_dimension_numbers<[1], [0], [0], [1], [0, 0, 1, 1], [], []>, transpose_lhs_hint = false} : vector<10000x4xf32>, vector<4x10xf32>, vector<10000x10xf32> -> vector<10000x10xf32>
    %add3A_79 = arith.addf %add3A_76, %dot_general3A_78 : vector<10000x10xf32>
    %mul3A_80 = vector.broadcast %get3A_18 : vector<10000x1xf32> to vector<10000x10xf32>
    %mul3A_81 = vector.broadcast %dot_general3A_49 : vector<1x10xf32> to vector<10000x10xf32>
    %mul3A_82 = arith.mulf %mul3A_80, %mul3A_81 : vector<10000x10xf32>
    %add3A_83 = arith.addf %add3A_79, %mul3A_82 : vector<10000x10xf32>
    %add3A_84 = vector.broadcast %add3A_65 : vector<1x10xf32> to vector<10000x10xf32>
    %add3A_85 = arith.addf %add3A_83, %add3A_84 : vector<10000x10xf32>
    %max3A = arith.constant 0.000000e+00 : f32
    %max3A_86 = vector.broadcast %max3A : f32 to vector<10000x10xf32>
    %max3A_87 = arith.maximumf %add3A_85, %max3A_86 : vector<10000x10xf32>
    %get3A_88 = arith.constant 0 : index
    %get3A_89 = arith.constant 0 : index
    %get3A_90 = vector.load %arg8[%get3A_88, %get3A_89] : memref<10x10xf32, #tpu.memory_space<vmem>>, vector<10x10xf32>
    %get3A_91 = arith.constant 0 : index
    %get3A_92 = arith.constant 0 : index
    %get3A_93 = vector.load %arg10[%get3A_91, %get3A_92] : memref<10x1xf32, #tpu.memory_space<vmem>>, vector<10x1xf32>
    %dot_general3A_94 = arith.constant dense<0.000000e+00> : vector<10x1xf32>
    %dot_general3A_95 = tpu.matmul %get3A_90, %get3A_93, %dot_general3A_94 {dimension_numbers = #tpu.dot_dimension_numbers<[1], [0], [0], [1], [0, 0, 1, 1], [], []>, transpose_lhs_hint = false} : vector<10x10xf32>, vector<10x1xf32>, vector<10x1xf32> -> vector<10x1xf32>
    %get3A_96 = arith.constant 0 : index
    %get3A_97 = arith.constant 0 : index
    %get3A_98 = vector.load %arg9[%get3A_96, %get3A_97] : memref<1x10xf32, #tpu.memory_space<vmem>>, vector<1x10xf32>
    %get3A_99 = arith.constant 0 : index
    %get3A_100 = arith.constant 0 : index
    %get3A_101 = vector.load %arg10[%get3A_99, %get3A_100] : memref<10x1xf32, #tpu.memory_space<vmem>>, vector<10x1xf32>
    %dot_general3A_102 = arith.constant dense<0.000000e+00> : vector<1x1xf32>
    %dot_general3A_103 = tpu.matmul %get3A_98, %get3A_101, %dot_general3A_102 {dimension_numbers = #tpu.dot_dimension_numbers<[1], [0], [0], [1], [0, 0, 1, 1], [], []>, transpose_lhs_hint = false} : vector<1x10xf32>, vector<10x1xf32>, vector<1x1xf32> -> vector<1x1xf32>
    %get3A_104 = arith.constant 0 : index
    %get3A_105 = arith.constant 0 : index
    %get3A_106 = vector.load %arg11[%get3A_104, %get3A_105] : memref<1x1xf32, #tpu.memory_space<vmem>>, vector<1x1xf32>
    %add3A_107 = arith.addf %dot_general3A_103, %get3A_106 : vector<1x1xf32>
    %dot_general3A_108 = arith.constant dense<0.000000e+00> : vector<10000x1xf32>
    %dot_general3A_109 = tpu.matmul %max3A_87, %dot_general3A_95, %dot_general3A_108 {dimension_numbers = #tpu.dot_dimension_numbers<[1], [0], [0], [1], [0, 0, 1, 1], [], []>, transpose_lhs_hint = false} : vector<10000x10xf32>, vector<10x1xf32>, vector<10000x1xf32> -> vector<10000x1xf32>
    %add3A_110 = vector.broadcast %add3A_107 : vector<1x1xf32> to vector<10000x1xf32>
    %add3A_111 = arith.addf %dot_general3A_109, %add3A_110 : vector<10000x1xf32>
    %swap3A = arith.constant 0 : index
    %swap3A_112 = arith.constant 0 : index
    %swap3A_113 = vector.load %arg13[%swap3A, %swap3A_112] : memref<10000x1xf32, #tpu.memory_space<vmem>>, vector<10000x1xf32>
    tpu.vector_store %arg13[%swap3A, %swap3A_112], %add3A_111 {strides = array<i32>} : memref<10000x1xf32, #tpu.memory_space<vmem>>, vector<10000x1xf32>,
    return
  }
}

</mosaic_0001>

<sc_bundles>
// kernel: kernel.5.cloned.1.call-start
scs
__scs_entry_jumppad:
0x0: {  	(pc) =	sbr.rel $0x88, $3  }
0x1: {  	(tag) =	ssettag $0x0;
	lr =	simm.s32 $0x1  }
0x2: {  	[smem:$0x3F90] =	sst lr;
	_ =	strace $0xD0000000  }
0x3: {  	_ = 	snop  }
0x4: {  	_ = 	snop  }
0x5: {  	_ = 	snop  }
0x6: {  	_ = 	snop  }
0x7: {  	_ = 	snop  }
__scs_overlays_trampoline_lowered:
0x8: {  	[smem:$0x3F9F] =	sst s0  }
0x9: {  	[smem:$0x3FA0] =	sst s1  }
0xa: {  	[smem:$0x3FA1] =	sst s2  }
0xb: {  	[smem:$0x3FA2] =	sst s3  }
0xc: {  	[smem:$0x3FA3] =	sst s4  }
0xd: {  	[smem:$0x3FA4] =	sst s5  }
0xe: {  	[smem:$0x3FA5] =	sst s6  }
0xf: {  	[smem:$0x3FA6] =	sst s7  }
0x10: {  	[smem:$0x3FA7] =	sst s8  }
0x11: {  	[smem:$0x3FA8] =	sst s9;
	s0 =	simm.s32 @!p0 $0x0  }
0x12: {  	s1 =	sld [smem:$0x3F8E];
	s0 =	simm.s32 @p0 $0x1  }
0x13: {  	[smem:$0x3FA9] =	sst s0;
	s0 =	simm.s32 @!p1 $0x0  }
0x14: {  	s2 =	sld [smem:$0x3F8D];
	s0 =	simm.s32 @p1 $0x1  }
0x15: {  	[smem:$0x3FAA] =	sst s0;
	s0 =	simm.s32 @!p2 $0x0  }
0x16: {  	s3 =	sld [smem:$0x3FDB];
	s0 =	simm.s32 @p2 $0x1  }
0x17: {  	s4 =	simm.s32 $0x1BF5;
	[smem:$0x3FAC] =	sst s0  }
0x18: {  	s0 =	sld [smem:$0x3F8F];
	_ =	swait.ge [sflag:s4], $0x0  }
0x19: {  	s7 =	sld [smem:$0x3F90]  }
0x1a: {  	s8 =	sadd.s32 $0xFFFFE003, lr  }
0x1b: {  	s9 =	sadd.s32 $0xFFFFFEF7, lr;
	s5 =	simm.s32 $0xFFFFFFFF;
	p2 =	slt.u32 s8, $0xFFFFF086  }
0x1c: {  	p1 =	slt.u32 s9, $0xF7A;
	s5 =	simm.s32 @!p2 $0x0  }
0x1d: {  	s5 =	simm.s32 @p1 $0x1;
	p0 =	seq.s32 s7, s2  }
0x1e: {  	s7 =	smul.u32 @!p0 $0xF7A, s2;
	p2 =	seq.s32 @!p0 s5, $0x0  }
0x1f: {  	s9 =	smul.u32 $0xF7A, s1;
	s8 =	simm.s32 @!p0 $0x1BF5;
	p2 =	por !p2, p0  }
0x20: {  	[sflag:s8] =	ssyncset.s32 @!p0 $0xFFFFF086;
	s6 =	sadd.s32 @!p0 s3, s7;
	s7 =	simm.s32 @!p0 $0x108  }
0x21: {  	s3 =	sadd.s32 s3, s9;
	s6 =	sadd.s32 @!p0 $0x88, s6;
	s7 =	simm.s32 @p2 $0x1082  }
0x22: {  	[simem:s7], [sflag:s8] =	dma.local @!p0 [hbm:s6], $0xF7A  }
0x23: {  	s9 =	sor.u32 $0xD0000000, s2;
	s6 =	simm.s32 $0x108;
	_ =	swait.ge @!p0 [sflag:s8], $0x0  }
0x24: {  	s3 =	sadd.s32 $0x88, s3;
	s6 =	simm.s32 @!p1 $0x1082;
	[sflag:s4] =	ssyncset.s32 $0xFFFFF086  }
0x25: {  	[simem:s6], [sflag:s4] =	dma.local [hbm:s3], $0xF7A  }
0x26: {  	[smem:$0x3F90] =	sst s1;
	(tag) =	ssettag s2;
	_ =	strace s9  }
0x27: {  	s1 =	sld [smem:$0x3FA0]  }
0x28: {  	s2 =	sld [smem:$0x3FA1]  }
0x29: {  	s4 =	sld [smem:$0x3FA3]  }
0x2a: {  	p0 =	seq.s32 s5, $0x0;
	s5 =	sld [smem:$0x3FA4]  }
0x2b: {  	s6 =	sld [smem:$0x3FA5]  }
0x2c: {  	s7 =	sld [smem:$0x3FA6]  }
0x2d: {  	s3 =	simm.s32 $0x108;
	s8 =	sld [smem:$0x3FA7]  }
0x2e: {  	s3 =	simm.s32 @!p0 $0x1082;
	s9 =	sld [smem:$0x3FA8]  }
0x2f: {  	lr =	sadd.s32 s0, s3;
	s0 =	sld [smem:$0x3F9F]  }
0x30: {  	s3 =	sld [smem:$0x3FA2]  }
0x31: {  	[smem:$0x3FAB] =	sst s10  }
0x32: {  	s10 =	sld [smem:$0x3FA9];
	_ =	sdelay $0x3  }
0x33: {  	p0 =	seq.s32 s10, $0x1;
	s10 =	sld [smem:$0x3FAB];
	_ =	sdelay $0x3  }
0x34: {  	[smem:$0x3FAB] =	sst s10  }
0x35: {  	s10 =	sld [smem:$0x3FAA];
	_ =	sdelay $0x3  }
0x36: {  	p1 =	seq.s32 s10, $0x1;
	s10 =	sld [smem:$0x3FAB];
	_ =	sdelay $0x3  }
0x37: {  	[smem:$0x3FAB] =	sst s10  }
0x38: {  	s10 =	sld [smem:$0x3FAC]  }
0x39: {  	_ = 	snop;
	(pc) =	sbr.ind lr, $3  }
0x3a: {  	_ = 	snop  }
0x3b: {  	_ = 	snop  }
0x3c: {  	p2 =	seq.s32 s10, $0x1;
	s10 =	sld [smem:$0x3FAB]  }
0x3d: {  	_ =	shalt  }
0x3e: {  	_ =	shalt  }
0x3f: {  	_ =	shalt  }
0x40: {  	_ =	shalt  }
0x41: {  	_ =	shalt  }
0x42: {  	_ =	shalt  }
0x43: {  	_ =	shalt  }
0x44: {  	_ =	shalt  }
0x45: {  	_ =	shalt  }
0x46: {  	_ =	shalt  }
0x47: {  	_ =	shalt  }
0x48: {  	_ =	shalt  }
0x49: {  	_ =	shalt  }
0x4a: {  	_ =	shalt  }
0x4b: {  	_ =	shalt  }
0x4c: {  	_ =	shalt  }
0x4d: {  	_ =	shalt  }
0x4e: {  	_ =	shalt  }
0x4f: {  	_ =	shalt  }
0x50: {  	_ =	shalt  }
0x51: {  	_ =	shalt  }
0x52: {  	_ =	shalt  }
0x53: {  	_ =	shalt  }
0x54: {  	_ =	shalt  }
0x55: {  	_ =	shalt  }
0x56: {  	_ =	shalt  }
0x57: {  	_ =	shalt  }
0x58: {  	_ =	shalt  }
0x59: {  	_ =	shalt  }
0x5a: {  	_ =	shalt  }
0x5b: {  	_ =	shalt  }
0x5c: {  	_ =	shalt  }
0x5d: {  	_ =	shalt  }
0x5e: {  	_ =	shalt  }
0x5f: {  	_ =	shalt  }
0x60: {  	_ =	shalt  }
0x61: {  	_ =	shalt  }
0x62: {  	_ =	shalt  }
0x63: {  	_ =	shalt  }
0x64: {  	_ =	shalt  }
0x65: {  	_ =	shalt  }
0x66: {  	_ =	shalt  }
0x67: {  	_ =	shalt  }
0x68: {  	_ =	shalt  }
0x69: {  	_ =	shalt  }
0x6a: {  	_ =	shalt  }
0x6b: {  	_ =	shalt  }
0x6c: {  	_ =	shalt  }
0x6d: {  	_ =	shalt  }
0x6e: {  	_ =	shalt  }
0x6f: {  	_ =	shalt  }
0x70: {  	_ =	shalt  }
0x71: {  	_ =	shalt  }
0x72: {  	_ =	shalt  }
0x73: {  	_ =	shalt  }
0x74: {  	_ =	shalt  }
0x75: {  	_ =	shalt  }
0x76: {  	_ =	shalt  }
0x77: {  	_ =	shalt  }
0x78: {  	_ =	shalt  }
0x79: {  	_ =	shalt  }
0x7a: {  	_ =	shalt  }
0x7b: {  	_ =	shalt  }
0x7c: {  	_ =	shalt  }
0x7d: {  	_ =	shalt  }
0x7e: {  	_ =	shalt  }
0x7f: {  	_ =	shalt  }
0x80: {  	_ =	shalt  }
0x81: {  	_ =	shalt  }
0x82: {  	_ =	shalt  }
0x83: {  	_ =	shalt  }
0x84: {  	_ =	shalt  }
0x85: {  	_ =	shalt  }
0x86: {  	_ =	shalt  }
0x87: {  	_ =	shalt  }
.Lfunc_end0:
.L_simem_size_0:
called_computation_lowered:
.L_overlay_start_0:
0x88: {  	s2 =	sld [smem:$0x3FD9]  }
0x89: {  	s3 =	sld [smem:$0x3FFE];
	_ =	sdelay $0x1  }
0x8a: {  	s1 =	srdreg.scid  }
0x8b: {  	s0 =	sand.u32 $0x1, s1  }
0x8c: {  	s14 =	sshll.u32 s0, $0xA;
	s2 =	sadd.s32 s3, s2  }
0x8d: {  	s2 =	sadd.s32 s2, s14  }
0x8e: {  	[smem:$0x3FB7] =	sst s2  }
0x8f: {  	_ = 	snop  }
0x90: {  	s2 =	sld [smem:$0x3FD0];
	_ =	sdelay $0x1  }
0x91: {  	s15 =	sld [smem:$0x3FC7]  }
0x92: {  	s5 =	simm.s32 $0xA;
	s6 =	simm.s32 $0x10;
	s4 =	sld [smem:$0x3FC6]  }
0x93: {  	[smem:s6], [sflag:s5] =	dma.local [hbm:s2], $0x1  }
0x94: {  	_ =	swait.eq [sflag:s5], $0x1  }
0x95: {  	[sflag:s5] =	ssyncset.done $0x0  }
0x96: {  	[sflag:s5] =	ssyncadd.s32 $0xFFFFFFFF  }
0x97: {  	s16 =	sld [smem:$0x10];
	(tm) =	ssettm $0x1  }
0x98: {  	s17 =	sld [smem:$0x3FFB];
	_ =	sdelay $0x3  }
0x99: {  	_ =	strace s17  }
0x9a: {  	s5 =	sld [smem:$0x3FFC];
	_ =	sdelay $0x3  }
0x9b: {  	_ =	strace s5  }
0x9c: {  	s5 =	sld [smem:$0x3FFD];
	_ =	sdelay $0x3  }
0x9d: {  	_ =	strace s5  }
0x9e: {  	_ =	strace $0x8FFFFFFF  }
0x9f: {  	s18 =	sld [smem:$0x3FDB];
	_ =	sdelay $0x1  }
0xa0: {  	s19 =	simm.s32 $_scs_section_size  }
0xa1: {  	s7 =	simm.s32 $_size__tile_overlayer_lowered;
	s8 =	simm.s32 $_tile_overlayer_lowered  }
0xa2: {  	s22 =	simm.s32 $0x1BFF;
	s21 =	sshll.u32 s8, $0x1;
	s5 =	sadd.s32 s19, s18  }
0xa3: {  	s9 =	simm.s32 $0x0;
	s20 =	sshll.u32 s7, $0x1;
	s7 =	sadd.s32 s21, s5  }
0xa4: {  	[timem:s9], [sflag:s22] =	dma.local [hbm:s7], s20  }
0xa5: {  	_ =	swait.ge [sflag:s22], s20  }
0xa6: {  	s6 =	ssub.s32 $0x0, s20;
	[sflag:s22] =	ssyncset.done $0x0  }
0xa7: {  	[sflag:s22] =	ssyncadd.s32 s6;
	_ =	sdelay $0x1  }
0xa8: {  	s23 =	simm.s32 $0x1B8B  }
0xa9: {  	_ =	swait.ge [sflag:s23], $0x1  }
0xaa: {  	[sflag:s23] =	ssyncset.done $0x0  }
0xab: {  	s25 =	simm.s32 $0x1B8E;
	s24 =	sld [smem:$0x3FFE];
	[sflag:s23] =	ssyncadd.s32 $0xFFFFFFFF  }
0xac: {  	s26 =	simm.s32 $execute0_lowered;
	[smem:$0x3FD2] =	sst s25  }
0xad: {  	s7 =	sshll.u32 s26, $0x1;
	_ =	strace $0x80000046;
	[dreg:$0x1] =	wrdreg $0xFFFFFFFF  }
0xae: {  	s28 =	simm.s32 $_size_execute0_lowered;
	s5 =	sadd.s32 s5, s7;
	[dreg:$0x0] =	wrdreg $0x0  }
0xaf: {  	s7 =	sshll.u32 s28, $0x1;
	[dreg:$0x2] =	wrdreg s5  }
0xb0: {  	[dreg:$0x3] =	wrdreg s7  }
0xb1: {  	[dreg:$0x4] =	wrdreg $0xC0  }
0xb2: {  	_ =	task [dreg:s9], $0x5FFFF  }
0xb3: {  	[dreg:$0x1] =	wrdreg $0xFFFFFFFF  }
0xb4: {  	[dreg:$0x0] =	wrdreg $0x60  }
0xb5: {  	[dreg:$0x2] =	wrdreg s24  }
0xb6: {  	[dreg:$0x3] =	wrdreg s15  }
0xb7: {  	[dreg:$0x4] =	wrdreg s4  }
0xb8: {  	[dreg:$0x5] =	wrdreg s16  }
0xb9: {  	[dreg:$0x6] =	wrdreg $0x14D200  }
0xba: {  	[dreg:$0x7] =	wrdreg $0x161200  }
0xbb: {  	[dreg:$0x8] =	wrdreg $0x9  }
0xbc: {  	_ =	task.clear_ibuf [dreg:s9], $0x9FFFF;
	_ =	strace $0x90000046  }
0xbd: {  	s29 =	simm.s32 $0x9;
	_ =	strace $0x80000048  }
0xbe: {  	_ =	swait.ge [sflag:s29], $0x1  }
0xbf: {  	[sflag:s29] =	ssyncadd.s32 $0xFFFFFFFF  }
0xc0: {  	_ =	strace $0x90000048  }
0xc1: {  	_ =	sfence  }
0xc2: {  	s30 =	sld [smem:$0x0];
	_ =	sdelay $0x2  }
0xc3: {  	s31 =	sshll.u32 s1, $0xD;
	s1 =	sshrl.u32 s1, $0x2  }
0xc4: {  	s3 =	sand.u32 $0x4000, s31;
	s1 =	sadd.s32 s1, s30  }
0xc5: {  	s0 =	sor.u32 s3, s0;
	s1 =	sshll.u32 s1, $0x11  }
0xc6: {  	s0 =	sor.u32 s1, s0  }
0xc7: {  	s0 =	sadd.s32 $0x8F2B, s0  }
0xc8: {  	[sflag:s0] =	ssyncadd.remote.s32 $0x1  }
0xc9: {  	_ =	sfence.sel $0xFFFF  }
0xca: {  	[dreg:$0x0] =	wrdreg $0xFFFFFFFF;
	(pc) =	sbr.abs _section_cstart, $3  }
0xcb: {  	[dreg:$0x1] =	wrdreg $0xFFFFFFFF  }
0xcc: {  	_ =	task.clear_ibuf [dreg:s9], $0x2FFFF;
	_ =	strace $0x9FFFFFFF  }
0xcd: {  	(tm) =	ssettm $0x7FFFFFFF  }
tec
execute0_lowered:
.L_overlay_start_1:
0x0: {  	(tag) =	ssettag $0x1  }
0x1: {  	s6 =	rddreg [dreg:$0x0]  }
0x2: {  	s15 =	rddreg [dreg:$0x1]  }
0x3: {  	s13 =	rddreg [dreg:$0x2]  }
0x4: {  	s2 =	rddreg [dreg:$0x3]  }
0x5: {  	s3 =	rddreg [dreg:$0x4]  }
0x6: {  	s4 =	rddreg [dreg:$0x5]  }
0x7: {  	s1 =	stileid.u32;
	s5 =	simm.s32 $0x0;
	s8 =	srdreg.scid  }
0x8: {  	s19 =	simm.s32 $0x1;
	s21 =	simm.s32 $0x13880;
	s22 =	simm.s32 $0x138D0  }
0x9: {  	s23 =	simm.s32 $0x50;
	s24 =	simm.s32 $0x13920;
	s7 =	smul.u32 $0x4E20, s1  }
0xa: {  	s25 =	simm.s32 $0x0;
	[smem:$0x7FF] =	sst s5;
	s9 =	smul.u32 $0x1400, s1  }
0xb: {  	s8 =	sand.u32 $0x1, s8;
	s31 =	sshll.u32 s1, $0x6;
	s16 =	smul.u32 $0x9C4, s1  }
0xc: {  	_ =	strace $0x80000047;
	s8 =	ssub.s32 $0x2, s8;
	s10 =	sadd.s32 s7, s6  }
0xd: {  	s30 =	sshrl.u32 s9, $0x3;
	s11 =	sshrl.u32 s8, $0x1;
	s7 =	sor.u32 $0x1C01, s31  }
0xe: {  	s13 =	sadd.s32 s16, s13;
	s12 =	sadd.s32 s30, s6;
	s14 =	ssub.s32 s8, s11  }
0xf: {  	s6 =	sadd.s32 s9, s3;
	s8 =	sadd.s32 s9, s4;
	s9 =	sadd.s32 $0x4E4A00, s10  }
0x10: {  	s15 =	sadd.s32 s16, s15;
	s10 =	sadd.s32 $0x4E7110, s10;
	s16 =	sadd.s32 $0x4E2, s13  }
0x11: {  	s17 =	sadd.s32 $0x4E2, s15;
	s11 =	sadd.s32 $0x2A00, s12;
	s12 =	sadd.s32 $0x5200, s12  }
0x12: {  	s14 =	smax.u32 s14, $0x1;
	s18 =	sshrl.u32 s6, $0x3;
	s20 =	sshrl.u32 s8, $0x3  }
.LBB2_1:
0x13: {  	[spmem:s18], [sflag:s7] =	dma.local [hbm:s2], $0x280  }
0x14: {  	_ =	swait.ge [sflag:s19], $0x280  }
0x15: {  	[sflag:s19] =	ssyncset.done $0x0  }
0x16: {  	[sflag:s19] =	ssyncadd.s32 $0xFFFFFD80  }
0x17: {  	[spmem:s20], [sflag:s7] =	dma.local [hbm:s2], $0x280  }
0x18: {  	_ =	swait.ge [sflag:s19], $0x280  }
0x19: {  	[sflag:s19] =	ssyncset.done $0x0  }
0x1a: {  	[sflag:s19] =	ssyncadd.s32 $0xFFFFFD80  }
0x1b: {  	[bflag:$0x0] =	sbarrier.arrive $0xFFFF  }
0x1c: {  	[tilespmem:s5], [sflag:$0x1] =	stream.linear.gather [hbm4b:s9+s5], $0x13880, $0x38;
	[tilespmem:$0x17520] =	vst v63  }
0x1d: {  	_ =	swait.ge [sflag:s19], $0x13880  }
0x1e: {  	[sflag:s19] =	ssyncset.done $0x0  }
0x1f: {  	s26 =	sadd.s32 $0x0, s15;
	[sflag:s19] =	ssyncadd.s32 $0xFFFEC780  }
0x20: {  	[tilespmem:s21], [sflag:$0x1] =	stream.linear.gather [hbm4b:s26+s5], $0x50, $0x38;
	[tilespmem:$0x17520] =	vst v63  }
0x21: {  	_ =	swait.ge [sflag:s19], $0x50  }
0x22: {  	[sflag:s19] =	ssyncset.done $0x0  }
0x23: {  	s31 =	sadd.s32 $0x0, s13;
	[sflag:s19] =	ssyncadd.s32 $0xFFFFFFB0  }
0x24: {  	[tilespmem:s22], [sflag:$0x1] =	stream.linear.gather [hbm4b:s31+s5], $0x50, $0x38;
	[tilespmem:$0x17520] =	vst v63  }
0x25: {  	_ =	swait.ge [sflag:s19], $0x50  }
0x26: {  	[sflag:s19] =	ssyncset.done $0x0  }
0x27: {  	[sflag:s19] =	ssyncadd.s32 $0xFFFFFFB0  }
0x28: {  	[spmem:s3] =	stream.indirect.scatter.add.f32 [tilespmem:s5], [sflag:$0x1], $0x8, s21, s23, $0xb8;
	[tilespmem:$0x17520] =	vst v63  }
0x29: {  	_ =	swait.ge [sflag:s19], $0x280  }
0x2a: {  	[sflag:s19] =	ssyncset.done $0x0  }
0x2b: {  	[sflag:s19] =	ssyncadd.s32 $0xFFFFFD80  }
0x2c: {  	[spmem:s4] =	stream.indirect.scatter.add.f32 [tilespmem:s5], [sflag:$0x1], $0x8, s22, s23, $0xb8;
	[tilespmem:$0x17520] =	vst v63  }
0x2d: {  	s28 =	simm.s32 $0xA;
	_ =	swait.ge [sflag:s19], $0x280  }
0x2e: {  	s29 =	simm.s32 $0x14;
	s26 =	simm.s32 $0x280;
	[sflag:s19] =	ssyncset.done $0x0  }
.LBB2_2:
0x2f: {  	s30 =	sadd.s32 s28, s15  }
0x30: {  	[sflag:s19] =	ssyncadd.s32 $0xFFFFFD80;
	s31 =	smov.u32 s29;
	s0 =	sadd.s32 $0xA, s29  }
0x31: {  	[tilespmem:s21], [sflag:$0x1] =	stream.linear.gather [hbm4b:s30+s5], $0x50, $0x38;
	[tilespmem:$0x17520] =	vst v63  }
0x32: {  	p0 =	sne.s32 s29, $0x4D8;
	_ =	swait.ge [sflag:s19], $0x50  }
0x33: {  	[sflag:s19] =	ssyncset.done $0x0  }
0x34: {  	s29 =	sadd.s32 s28, s13;
	s28 =	smov.u32 s31;
	[sflag:s19] =	ssyncadd.s32 $0xFFFFFFB0  }
0x35: {  	[tilespmem:s22], [sflag:$0x1] =	stream.linear.gather [hbm4b:s29+s5], $0x50, $0x38;
	[tilespmem:$0x17520] =	vst v63  }
0x36: {  	_ =	swait.ge [sflag:s19], $0x50  }
0x37: {  	[sflag:s19] =	ssyncset.done $0x0  }
0x38: {  	[sflag:s19] =	ssyncadd.s32 $0xFFFFFFB0  }
0x39: {  	[spmem:s3] =	stream.indirect.scatter.add.f32 [tilespmem:s26], [sflag:$0x1], $0x8, s21, s23, $0xb8;
	[tilespmem:$0x17520] =	vst v63  }
0x3a: {  	_ =	swait.ge [sflag:s19], $0x280  }
.Ltmp0:
0x3b: {  	[sflag:s19] =	ssyncset.done $0x0;
	(pc) =	sbr.rel @p0 .LBB2_2-.Ltmp0, $4  }
0x3c: {  	[sflag:s19] =	ssyncadd.s32 $0xFFFFFD80  }
0x3d: {  	[spmem:s4] =	stream.indirect.scatter.add.f32 [tilespmem:s26], [sflag:$0x1], $0x8, s22, s23, $0xb8;
	[tilespmem:$0x17520] =	vst v63  }
0x3e: {  	_ =	swait.ge [sflag:s19], $0x280  }
0x3f: {  	s29 =	smov.u32 s0;
	s26 =	sadd.s32 $0x280, s26;
	[sflag:s19] =	ssyncset.done $0x0  }
0x40: {  	s0 =	sadd.s32 s28, s15;
	[sflag:s19] =	ssyncadd.s32 $0xFFFFFD80  }
0x41: {  	[tilespmem:s21], [sflag:$0x1] =	stream.linear.gather [hbm4b:s0+s5], $0x50, $0x38;
	[tilespmem:$0x17520] =	vst v63  }
0x42: {  	_ =	swait.ge [sflag:s19], $0x50  }
0x43: {  	[sflag:s19] =	ssyncset.done $0x0  }
0x44: {  	s31 =	sadd.s32 s28, s13;
	[sflag:s19] =	ssyncadd.s32 $0xFFFFFFB0  }
0x45: {  	[tilespmem:s22], [sflag:$0x1] =	stream.linear.gather [hbm4b:s31+s5], $0x50, $0x38;
	[tilespmem:$0x17520] =	vst v63  }
0x46: {  	_ =	swait.ge [sflag:s19], $0x50  }
0x47: {  	[sflag:s19] =	ssyncset.done $0x0  }
0x48: {  	[sflag:s19] =	ssyncadd.s32 $0xFFFFFFB0  }
0x49: {  	[spmem:s3] =	stream.indirect.scatter.add.f32 [tilespmem:s26], [sflag:$0x1], $0x8, s21, s23, $0xb8;
	[tilespmem:$0x17520] =	vst v63  }
0x4a: {  	_ =	swait.ge [sflag:s19], $0x280  }
0x4b: {  	[sflag:s19] =	ssyncset.done $0x0  }
0x4c: {  	[sflag:s19] =	ssyncadd.s32 $0xFFFFFD80  }
0x4d: {  	[spmem:s4] =	stream.indirect.scatter.add.f32 [tilespmem:s26], [sflag:$0x1], $0x8, s22, s23, $0xb8;
	[tilespmem:$0x17520] =	vst v63  }
0x4e: {  	_ =	swait.ge [sflag:s19], $0x280  }
0x4f: {  	[sflag:s19] =	ssyncset.done $0x0  }
0x50: {  	s0 =	simm.s32 $0x0;
	[sflag:s19] =	ssyncadd.s32 $0xFFFFFD80  }
0x51: {  	[tilespmem:s0], [sflag:$0x1] =	stream.linear.gather [hbm4b:s10+s0], $0x13880, $0x38;
	[tilespmem:$0x17520] =	vst v63  }
0x52: {  	_ =	swait.ge [sflag:s19], $0x13880  }
0x53: {  	[sflag:s19] =	ssyncset.done $0x0  }
0x54: {  	s30 =	sadd.s32 $0x0, s17;
	[sflag:s19] =	ssyncadd.s32 $0xFFFEC780  }
0x55: {  	[tilespmem:s21], [sflag:$0x1] =	stream.linear.gather [hbm4b:s30+s5], $0x50, $0x38;
	[tilespmem:$0x17520] =	vst v63  }
0x56: {  	_ =	swait.ge [sflag:s19], $0x50  }
0x57: {  	[sflag:s19] =	ssyncset.done $0x0  }
0x58: {  	s31 =	sadd.s32 $0x0, s16;
	[sflag:s19] =	ssyncadd.s32 $0xFFFFFFB0  }
0x59: {  	[tilespmem:s22], [sflag:$0x1] =	stream.linear.gather [hbm4b:s31+s5], $0x50, $0x38;
	[tilespmem:$0x17520] =	vst v63  }
0x5a: {  	_ =	swait.ge [sflag:s19], $0x50  }
0x5b: {  	[sflag:s19] =	ssyncset.done $0x0  }
0x5c: {  	[sflag:s19] =	ssyncadd.s32 $0xFFFFFFB0  }
0x5d: {  	[spmem:s3] =	stream.indirect.scatter.add.f32 [tilespmem:s0], [sflag:$0x1], $0x8, s21, s23, $0xb8;
	[tilespmem:$0x17520] =	vst v63  }
0x5e: {  	_ =	swait.ge [sflag:s19], $0x280  }
0x5f: {  	[sflag:s19] =	ssyncset.done $0x0  }
0x60: {  	[sflag:s19] =	ssyncadd.s32 $0xFFFFFD80  }
0x61: {  	[spmem:s4] =	stream.indirect.scatter.add.f32 [tilespmem:s0], [sflag:$0x1], $0x8, s22, s23, $0xb8;
	[tilespmem:$0x17520] =	vst v63  }
0x62: {  	s28 =	simm.s32 $0xA;
	_ =	swait.ge [sflag:s19], $0x280  }
0x63: {  	s29 =	simm.s32 $0x14;
	s26 =	simm.s32 $0x280;
	[sflag:s19] =	ssyncset.done $0x0  }
.LBB2_4:
0x64: {  	s0 =	sadd.s32 s28, s17  }
0x65: {  	[sflag:s19] =	ssyncadd.s32 $0xFFFFFD80;
	s30 =	smov.u32 s29;
	s31 =	sadd.s32 $0xA, s29  }
0x66: {  	[tilespmem:s21], [sflag:$0x1] =	stream.linear.gather [hbm4b:s0+s5], $0x50, $0x38;
	[tilespmem:$0x17520] =	vst v63  }
0x67: {  	p0 =	sne.s32 s29, $0x4D8;
	_ =	swait.ge [sflag:s19], $0x50  }
0x68: {  	[sflag:s19] =	ssyncset.done $0x0  }
0x69: {  	s0 =	sadd.s32 s28, s16;
	s28 =	smov.u32 s30;
	[sflag:s19] =	ssyncadd.s32 $0xFFFFFFB0  }
0x6a: {  	[tilespmem:s22], [sflag:$0x1] =	stream.linear.gather [hbm4b:s0+s5], $0x50, $0x38;
	[tilespmem:$0x17520] =	vst v63  }
0x6b: {  	_ =	swait.ge [sflag:s19], $0x50  }
0x6c: {  	[sflag:s19] =	ssyncset.done $0x0  }
0x6d: {  	[sflag:s19] =	ssyncadd.s32 $0xFFFFFFB0  }
0x6e: {  	[spmem:s3] =	stream.indirect.scatter.add.f32 [tilespmem:s26], [sflag:$0x1], $0x8, s21, s23, $0xb8;
	[tilespmem:$0x17520] =	vst v63  }
0x6f: {  	_ =	swait.ge [sflag:s19], $0x280  }
.Ltmp1:
0x70: {  	[sflag:s19] =	ssyncset.done $0x0;
	(pc) =	sbr.rel @p0 .LBB2_4-.Ltmp1, $4  }
0x71: {  	[sflag:s19] =	ssyncadd.s32 $0xFFFFFD80  }
0x72: {  	[spmem:s4] =	stream.indirect.scatter.add.f32 [tilespmem:s26], [sflag:$0x1], $0x8, s22, s23, $0xb8;
	[tilespmem:$0x17520] =	vst v63  }
0x73: {  	_ =	swait.ge [sflag:s19], $0x280  }
0x74: {  	s29 =	smov.u32 s31;
	s26 =	sadd.s32 $0x280, s26;
	[sflag:s19] =	ssyncset.done $0x0  }
0x75: {  	s0 =	sadd.s32 s28, s17;
	[sflag:s19] =	ssyncadd.s32 $0xFFFFFD80  }
0x76: {  	[tilespmem:s21], [sflag:$0x1] =	stream.linear.gather [hbm4b:s0+s5], $0x50, $0x38;
	[tilespmem:$0x17520] =	vst v63  }
0x77: {  	_ =	swait.ge [sflag:s19], $0x50  }
0x78: {  	[sflag:s19] =	ssyncset.done $0x0  }
0x79: {  	s31 =	sadd.s32 s28, s16;
	[sflag:s19] =	ssyncadd.s32 $0xFFFFFFB0  }
0x7a: {  	[tilespmem:s22], [sflag:$0x1] =	stream.linear.gather [hbm4b:s31+s5], $0x50, $0x38;
	[tilespmem:$0x17520] =	vst v63  }
0x7b: {  	_ =	swait.ge [sflag:s19], $0x50  }
0x7c: {  	[sflag:s19] =	ssyncset.done $0x0  }
0x7d: {  	[sflag:s19] =	ssyncadd.s32 $0xFFFFFFB0  }
0x7e: {  	[spmem:s3] =	stream.indirect.scatter.add.f32 [tilespmem:s26], [sflag:$0x1], $0x8, s21, s23, $0xb8;
	[tilespmem:$0x17520] =	vst v63  }
0x7f: {  	_ =	swait.ge [sflag:s19], $0x280  }
0x80: {  	[sflag:s19] =	ssyncset.done $0x0  }
0x81: {  	[sflag:s19] =	ssyncadd.s32 $0xFFFFFD80  }
0x82: {  	[spmem:s4] =	stream.indirect.scatter.add.f32 [tilespmem:s26], [sflag:$0x1], $0x8, s22, s23, $0xb8;
	[tilespmem:$0x17520] =	vst v63  }
0x83: {  	_ =	swait.ge [sflag:s19], $0x280  }
0x84: {  	[sflag:s19] =	ssyncset.done $0x0  }
0x85: {  	[sflag:s19] =	ssyncadd.s32 $0xFFFFFD80  }
0x86: {  	[bflag:$0x0] =	sbarrier.arrive $0xFFFF  }
0x87: {  	[tilespmem:s24], [sflag:$0x1] =	stream.linear.gather [spmem:s6], $0x1400, $0x38;
	[tilespmem:$0x17520] =	vst v63  }
0x88: {  	_ =	swait.ge [sflag:s19], $0x1400  }
0x89: {  	[sflag:s19] =	ssyncset.done $0x0  }
0x8a: {  	[sflag:s19] =	ssyncadd.s32 $0xFFFFEC00  }
0x8b: {  	[hbm4b:s11+s5] =	stream.linear.scatter [tilespmem:s24], [sflag:$0x1], $0x1400, $0x38;
	[tilespmem:$0x17520] =	vst v63  }
0x8c: {  	_ =	swait.ge [sflag:s19], $0x1400  }
0x8d: {  	[sflag:s19] =	ssyncset.done $0x0  }
0x8e: {  	[sflag:s19] =	ssyncadd.s32 $0xFFFFEC00  }
0x8f: {  	[tilespmem:s24], [sflag:$0x1] =	stream.linear.gather [spmem:s8], $0x1400, $0x38;
	[tilespmem:$0x17520] =	vst v63  }
0x90: {  	s25 =	sadd.s32 $0x1, s25;
	_ =	swait.ge [sflag:s19], $0x1400  }
0x91: {  	p0 =	sne.s32 s25, s14;
	[sflag:s19] =	ssyncset.done $0x0  }
.Ltmp2:
0x92: {  	[sflag:s19] =	ssyncadd.s32 $0xFFFFEC00;
	(pc) =	sbr.rel @p0 .LBB2_1-.Ltmp2, $4  }
0x93: {  	[hbm4b:s12+s5] =	stream.linear.scatter [tilespmem:s24], [sflag:$0x1], $0x1400, $0x38;
	[tilespmem:$0x17520] =	vst v63  }
0x94: {  	_ =	swait.ge [sflag:s19], $0x1400  }
0x95: {  	[sflag:s19] =	ssyncset.done $0x0  }
0x96: {  	[sflag:s19] =	ssyncadd.s32 $0xFFFFEC00  }
0x97: {  	_ =	sfence.sel $0x180000  }
0x98: {  	[bflag:$0x0] =	sbarrier.arrive $0xFFFF  }
0x99: {  	_ =	strace $0x90000047  }
0x9a: {  	[bflag:$0x2] =	sbarrier.arrive $0xFFFF  }
0x9b: {  	p0 =	sne.s32 s1, $0x0;
	s0 =	rddreg [dreg:$0x6]  }
0x9c: {  	s0 =	sadd.s32 @!p0 $0x100000, s0  }
0x9d: {  	[sflag:s0] =	ssyncadd.tile.s32 @!p0 $0x1;
	_ =	shalt  }
.Lfunc_end2:
_tile_overlayer_lowered:
.L_overlay_start_2:
0x9e: {  	(tag) =	ssettag $0x2  }
0x9f: {  	s0 =	rddreg [dreg:$0x0];
	s2 =	stileid.u32  }
0xa0: {  	s1 =	rddreg [dreg:$0x1];
	p0 =	sne.s32 s2, $0x0  }
0xa1: {  	s3 =	rddreg [dreg:$0x2];
	[bflag:$0x3] =	sbarrier.arrive $0xFFFF;
	s2 =	simm.s32 @!p0 $0x1C01  }
0xa2: {  	[timem:s3], [sflag:s2] =	dma.local @!p0 [hbm:s0], s1  }
0xa3: {  	s0 =	simm.s32 @!p0 $0x1  }
0xa4: {  	_ =	swait.ge @!p0 [sflag:s0], s1  }
0xa5: {  	s1 =	ssub.s32 @!p0 $0x0, s1;
	[sflag:s0] =	ssyncset.done @!p0 $0x0  }
0xa6: {  	[sflag:s0] =	ssyncadd.s32 @!p0 s1  }
0xa7: {  	[bflag:$0x3] =	sbarrier.arrive $0xFFFF  }
0xa8: {  	_ =	shalt  }

</sc_bundles>
